<compile_context>
chip_gen: v7x
topology: tpu7x:2x2x1
jax: 0.10.2.dev20260603
libtpu: 0.0.44.dev20260713+nightly
codegen_flags: <defaults>
</compile_context>

<pallas_src>
import functools

import jax
import jax.numpy as jnp
from jax import lax
from jax.experimental import pallas as pl
from jax.experimental.pallas import tpu as pltpu
from jax.experimental.pallas import tpu_sc as plsc

N = 10000
E = 160000
D = 256
H = 128
LAT = 64
OUT = 4
GROUPS = 8
CG = D // GROUPS
EPS = 1e-5

NS = 16
BK = 128
CH = 79
EPT = E // NS
PPT = CH * BK - EPT
PADROWS = 128
ACC_ROWS = N + PADROWS
SR = 640



def _agg_body(src_hbm, dst_hbm, xlo_hbm, xhi_hbm, zero_hbm,
              alo_hbm, ahi_hbm,
              src_v, dst_v, rows_v, acc, sem):
    c = lax.axis_index("c")
    s = lax.axis_index("s")

    zb = jnp.minimum(s * SR, ACC_ROWS - SR)
    pltpu.sync_copy(zero_hbm, acc.at[pl.ds(zb, SR)])
    pltpu.sync_copy(src_hbm.at[s], src_v)
    pltpu.sync_copy(dst_hbm.at[s], dst_v)
    plsc.subcore_barrier()

    def edge_loop(x_hbm):
        def body(j, carry):
            pltpu.async_copy(x_hbm.at[src_v.at[j]], rows_v, sem).wait()
            pltpu.sync_copy(rows_v, acc.at[dst_v.at[j]], add=True)
            return carry
        lax.fori_loop(0, CH, body, 0)

    @pl.when(c == 0)
    def _():
        edge_loop(xlo_hbm)

    @pl.when(c == 1)
    def _():
        edge_loop(xhi_hbm)

    plsc.subcore_barrier()

    ob = jnp.minimum(s * SR, N - SR)

    @pl.when(c == 0)
    def _():
        pltpu.sync_copy(acc.at[pl.ds(ob, SR)], alo_hbm.at[pl.ds(ob, SR)])

    @pl.when(c == 1)
    def _():
        pltpu.sync_copy(acc.at[pl.ds(ob, SR)], ahi_hbm.at[pl.ds(ob, SR)])


@functools.cache
def _agg_kernel():
    return functools.partial(
        pl.kernel,
        out_type=(jax.ShapeDtypeStruct((N, H), jnp.float32),
                  jax.ShapeDtypeStruct((N, H), jnp.float32)),
        mesh=plsc.VectorSubcoreMesh(core_axis_name="c", subcore_axis_name="s"),
        scratch_types=[
            pltpu.VMEM((CH, BK), jnp.int32),
            pltpu.VMEM((CH, BK), jnp.int32),
            pltpu.VMEM((BK, H), jnp.float32),
            pltpu.VMEM_SHARED((ACC_ROWS, H), jnp.float32),
            pltpu.SemaphoreType.DMA,
        ],
    )(_agg_body)


def _agg(src, dst, xlo, xhi, zero_rows):
    return _agg_kernel()(src, dst, xlo, xhi, zero_rows)



def _gn_gelu(h, gamma, beta):
    f32 = jnp.float32
    G = (lax.broadcasted_iota(jnp.int32, (D, GROUPS), 0) // CG
         == lax.broadcasted_iota(jnp.int32, (D, GROUPS), 1)).astype(f32)
    GT = (lax.broadcasted_iota(jnp.int32, (GROUPS, D), 0)
          == lax.broadcasted_iota(jnp.int32, (GROUPS, D), 1) // CG).astype(f32)
    s1 = jnp.dot(h, G, preferred_element_type=f32)
    s2 = jnp.dot(h * h, G, preferred_element_type=f32)
    mean = s1 * (1.0 / CG)
    var = s2 * (1.0 / CG) - mean * mean
    rstd = lax.rsqrt(var + EPS)
    rstdf = jnp.dot(rstd, GT, preferred_element_type=f32)
    mrf = jnp.dot(mean * rstd, GT, preferred_element_type=f32)
    y = (h * rstdf - mrf) * gamma + beta
    return jax.nn.gelu(y)


def _stage_a_body(x_ref, alo_ref, ahi_ref, nz_ref,
                  w1s_ref, wnlo_ref, wnhi_ref, b1_ref, g1_ref, be1_ref,
                  wmm_ref, wmv_ref, bmm_ref, bmv_ref, wup_ref, bup_ref,
                  dlo_ref, dhi_ref):
    f32 = jnp.float32
    h = (jnp.dot(x_ref[...], w1s_ref[...], preferred_element_type=f32)
         + jnp.dot(alo_ref[...], wnlo_ref[...], preferred_element_type=f32)
         + jnp.dot(ahi_ref[...], wnhi_ref[...], preferred_element_type=f32)
         + b1_ref[...])
    h = _gn_gelu(h, g1_ref[...], be1_ref[...])
    mz = jnp.dot(h, wmm_ref[...], preferred_element_type=f32) + bmm_ref[...]
    lv = jnp.dot(h, wmv_ref[...], preferred_element_type=f32) + bmv_ref[...]
    lv = jnp.clip(lv, -30.0, 20.0)
    z = mz + jnp.exp(0.5 * lv) * nz_ref[...]
    d0 = jax.nn.gelu(jnp.dot(z, wup_ref[...], preferred_element_type=f32)
                     + bup_ref[...])
    dlo_ref[...] = d0[:, :H]
    dhi_ref[...] = d0[:, H:]


def _stage_b_body(dlo_ref, dhi_ref, alo_ref, ahi_ref,
                  wslo_ref, wshi_ref, wnlo_ref, wnhi_ref,
                  b2_ref, g2_ref, be2_ref, wout_ref, bout_ref,
                  out_ref):
    f32 = jnp.float32
    d = (jnp.dot(dlo_ref[...], wslo_ref[...], preferred_element_type=f32)
         + jnp.dot(dhi_ref[...], wshi_ref[...], preferred_element_type=f32)
         + jnp.dot(alo_ref[...], wnlo_ref[...], preferred_element_type=f32)
         + jnp.dot(ahi_ref[...], wnhi_ref[...], preferred_element_type=f32)
         + b2_ref[...])
    d = _gn_gelu(d, g2_ref[...], be2_ref[...])
    out_ref[...] = (jnp.dot(d, wout_ref[...], preferred_element_type=f32)
                    + bout_ref[...])


_BR = 2000


def _row_spec(w):
    return pl.BlockSpec((_BR, w), lambda i: (i, 0))


def _full_spec(shape):
    return pl.BlockSpec(shape, lambda i: tuple(0 for _ in shape))


def _stage_a(x, alo, ahi, nz, w1s, wnlo, wnhi, b1, g1, be1,
             wmm, wmv, bmm, bmv, wup, bup):
    full = [_full_spec(a.shape) for a in
            (w1s, wnlo, wnhi, b1, g1, be1, wmm, wmv, bmm, bmv, wup, bup)]
    return pl.pallas_call(
        _stage_a_body,
        grid=(N // _BR,),
        in_specs=[_row_spec(D), _row_spec(H), _row_spec(H), _row_spec(LAT)] + full,
        out_specs=(_row_spec(H), _row_spec(H)),
        out_shape=(jax.ShapeDtypeStruct((N, H), jnp.float32),
                   jax.ShapeDtypeStruct((N, H), jnp.float32)),
    )(x, alo, ahi, nz, w1s, wnlo, wnhi, b1, g1, be1,
      wmm, wmv, bmm, bmv, wup, bup)


def _stage_b(dlo, dhi, alo, ahi, wslo, wshi, wnlo, wnhi, b2, g2, be2,
             wout, bout):
    full = [_full_spec(a.shape) for a in
            (wslo, wshi, wnlo, wnhi, b2, g2, be2, wout, bout)]
    return pl.pallas_call(
        _stage_b_body,
        grid=(N // _BR,),
        in_specs=[_row_spec(H), _row_spec(H), _row_spec(H), _row_spec(H)] + full,
        out_specs=_row_spec(OUT),
        out_shape=jax.ShapeDtypeStruct((N, OUT), jnp.float32),
    )(dlo, dhi, alo, ahi, wslo, wshi, wnlo, wnhi, b2, g2, be2, wout, bout)



def kernel(x, edge_index, W1s, W1n, b1, g1, be1, Wmu, bmu, Wup, bup,
           W2s, W2n, b2, g2, be2, Wout, bout, noise):
    ei = edge_index.astype(jnp.int32)
    pad_src = jnp.zeros((NS, PPT), jnp.int32)
    pad_dst = jnp.broadcast_to(
        N + (jnp.arange(PPT, dtype=jnp.int32) % PADROWS), (NS, PPT))
    src = jnp.concatenate([ei[0].reshape(NS, EPT), pad_src], axis=1)
    src = src.reshape(NS, CH, BK)
    dst = jnp.concatenate([ei[1].reshape(NS, EPT), pad_dst], axis=1)
    dst = dst.reshape(NS, CH, BK)
    zero_rows = jnp.zeros((SR, H), jnp.float32)

    a1_lo, a1_hi = _agg(src, dst, x[:, :H], x[:, H:], zero_rows)

    d0_lo, d0_hi = _stage_a(
        x, a1_lo, a1_hi, noise,
        W1s, W1n[:H], W1n[H:],
        b1.reshape(1, D), g1.reshape(1, D), be1.reshape(1, D),
        Wmu[:, :LAT], Wmu[:, LAT:],
        bmu[:LAT].reshape(1, LAT), bmu[LAT:].reshape(1, LAT),
        Wup, bup.reshape(1, D))

    a2_lo, a2_hi = _agg(src, dst, d0_lo, d0_hi, zero_rows)

    return _stage_b(
        d0_lo, d0_hi, a2_lo, a2_hi,
        W2s[:H], W2s[H:], W2n[:H], W2n[H:],
        b2.reshape(1, D), g2.reshape(1, D), be2.reshape(1, D),
        Wout, bout.reshape(1, OUT))

# --- scband reference (transcript-rebuilt; emitter-appended) ---
"""Pipeline reference for scband-graph-vae-80942953660807 (READ-ONLY COPY).

The authoritative reference and input builder live on the scoring server;
editing this copy changes nothing except your own understanding.
"""

import jax, jax.numpy as jnp
import numpy as np

N = 10000
E = 160000
D = 256
LAT = 64
OUT = 4
GROUPS = 8


def group_norm(x, gamma, beta, groups=GROUPS, eps=1e-5):
    n, c = x.shape
    xg = x.reshape(n, groups, c // groups)
    mean = xg.mean(axis=-1, keepdims=True)
    var = xg.var(axis=-1, keepdims=True)
    xg = (xg - mean) / jnp.sqrt(var + eps)
    return xg.reshape(n, c) * gamma + beta


def graph_conv(x, edge_index, W_self, W_nbr, b):
    src = edge_index[0]
    dst = edge_index[1]
    msg = jnp.take(x, src, axis=0) @ W_nbr
    agg = jax.ops.segment_sum(msg, dst, num_segments=N)
    return x @ W_self + agg + b


def setup_inputs(seed: int = 0) -> dict:
    key = jax.random.key(seed)
    ks = jax.random.split(key, 20)
    s = 0.02
    inp = {}
    inp['x'] = jax.random.normal(ks[0], (N, D), dtype=jnp.float32)
    inp['edge_index'] = jax.random.randint(ks[1], (2, E), 0, N, dtype=jnp.int64)
    inp['W1s'] = jax.random.normal(ks[2], (D, D), dtype=jnp.float32) * s
    inp['W1n'] = jax.random.normal(ks[3], (D, D), dtype=jnp.float32) * s
    inp['b1'] = jnp.zeros((D,), dtype=jnp.float32)
    inp['g1'] = jnp.ones((D,), dtype=jnp.float32)
    inp['be1'] = jnp.zeros((D,), dtype=jnp.float32)
    inp['Wmu'] = jax.random.normal(ks[4], (D, 2 * LAT), dtype=jnp.float32) * s
    inp['bmu'] = jnp.zeros((2 * LAT,), dtype=jnp.float32)
    inp['Wup'] = jax.random.normal(ks[5], (LAT, D), dtype=jnp.float32) * s
    inp['bup'] = jnp.zeros((D,), dtype=jnp.float32)
    inp['W2s'] = jax.random.normal(ks[6], (D, D), dtype=jnp.float32) * s
    inp['W2n'] = jax.random.normal(ks[7], (D, D), dtype=jnp.float32) * s
    inp['b2'] = jnp.zeros((D,), dtype=jnp.float32)
    inp['g2'] = jnp.ones((D,), dtype=jnp.float32)
    inp['be2'] = jnp.zeros((D,), dtype=jnp.float32)
    inp['Wout'] = jax.random.normal(ks[8], (D, OUT), dtype=jnp.float32) * s
    inp['bout'] = jnp.zeros((OUT,), dtype=jnp.float32)
    inp['noise'] = jax.random.normal(ks[9], (N, LAT), dtype=jnp.float32)
    return inp


def reference(x, edge_index, W1s, W1n, b1, g1, be1, Wmu, bmu, Wup, bup, W2s, W2n, b2, g2, be2, Wout, bout, noise):
    # Encoder: graph res-conv over octree-derived edges
    h = graph_conv(x, edge_index, W1s, W1n, b1)
    h = jax.nn.gelu(group_norm(h, g1, be1))
    # DiagonalGaussianDistribution (faithful to torch: chunk, clamp logvar, sample)
    params = h @ Wmu + bmu
    mean, logvar = jnp.split(params, 2, axis=1)
    logvar = jnp.clip(logvar, -30.0, 20.0)
    std = jnp.exp(0.5 * logvar)
    z = mean + std * noise
    # Decoder: latent -> graph res-conv -> regress signals
    d = jax.nn.gelu(z @ Wup + bup)
    d = graph_conv(d, edge_index, W2s, W2n, b2)
    d = jax.nn.gelu(group_norm(d, g2, be2))
    out = d @ Wout + bout
    return out

if __name__ == "__main__":
    import jax
    _d = setup_inputs()
    print(jax.jit(kernel)(*tuple(_d.values())))

</pallas_src>

<mosaic_0001>
#map = affine_map<(d0, d1) -> (0, 0, 0)>
#map1 = affine_map<(d0, d1) -> (0, 0)>
module attributes {stable_mosaic.version = 14 : i64} {
  func.func @_agg_body(%arg0: i32, %arg1: i32, %arg2: memref<16x79x128xi32, #tpu.memory_space<hbm>>, %arg3: memref<16x79x128xi32, #tpu.memory_space<hbm>>, %arg4: memref<10000x128xf32, #tpu.memory_space<hbm>>, %arg5: memref<10000x128xf32, #tpu.memory_space<hbm>>, %arg6: memref<640x128xf32, #tpu.memory_space<hbm>>, %arg7: memref<10000x128xf32, #tpu.memory_space<hbm>>, %arg8: memref<10000x128xf32, #tpu.memory_space<hbm>>, %arg9: memref<79x128xi32, #tpu.memory_space<vmem>>, %arg10: memref<79x128xi32, #tpu.memory_space<vmem>>, %arg11: memref<128x128xf32, #tpu.memory_space<vmem>>, %arg12: memref<10128x128xf32, #tpu.memory_space<vmem_shared>>, %arg13: memref<!tpu.dma_semaphore, #tpu.memory_space<semaphore_mem>>) attributes {dimension_semantics = [#tpu.dimension_semantics<core_parallel>, #tpu.dimension_semantics<subcore_parallel>], iteration_bounds = array<i64: 2, 16>, scalar_prefetch = 0 : i64, scratch_operands = 5 : i64, tpu.core_type = #tpu.core_type<sc_vector_subcore>, window_params = [{transform_indices = #map}, {transform_indices = #map}, {transform_indices = #map1}, {transform_indices = #map1}, {transform_indices = #map1}, {transform_indices = #map1}, {transform_indices = #map1}]} {
    %mul3A = arith.constant 640 : i32
    %mul3A_0 = arith.muli %arg1, %mul3A : i32
    %min3A = arith.constant 9488 : i32
    %min3A_1 = arith.minsi %mul3A_0, %min3A : i32
    "tpu.region"() ({
      %run_scoped3A = tpu.sem_alloc : memref<!tpu.dma_semaphore, #tpu.memory_space<semaphore_mem>>
      %dma_start3A = arith.constant 0 : i32
      %dma_start3A_24 = tpu.memref_slice %arg12[%min3A_1, %dma_start3A] : memref<10128x128xf32, #tpu.memory_space<vmem_shared>> -> memref<640x128xf32, #tpu.memory_space<vmem_shared>>
      tpu.enqueue_dma source(%arg6 : memref<640x128xf32, #tpu.memory_space<hbm>>) target(%dma_start3A_24 : memref<640x128xf32, #tpu.memory_space<vmem_shared>>) target_semaphore(%run_scoped3A : memref<!tpu.dma_semaphore, #tpu.memory_space<semaphore_mem>>)
      %dma_wait3A = arith.constant 0 : i32
      %dma_wait3A_25 = tpu.memref_slice %arg12[%min3A_1, %dma_wait3A] : memref<10128x128xf32, #tpu.memory_space<vmem_shared>> -> memref<640x128xf32, #tpu.memory_space<vmem_shared>>
      tpu.wait_dma2 semaphore(%run_scoped3A : memref<!tpu.dma_semaphore, #tpu.memory_space<semaphore_mem>>) src(%arg6 : memref<640x128xf32, #tpu.memory_space<hbm>>) dst(%dma_wait3A_25 : memref<640x128xf32, #tpu.memory_space<vmem_shared>>)
      tpu.yield
    }) : () -> ()
    "tpu.region"() ({
      %run_scoped3A = tpu.sem_alloc : memref<!tpu.dma_semaphore, #tpu.memory_space<semaphore_mem>>
      %dma_start3A = arith.constant 0 : i32
      %dma_start3A_24 = arith.constant 0 : i32
      %dma_start3A_25 = tpu.memref_slice %arg2[%arg1, %dma_start3A, %dma_start3A_24] : memref<16x79x128xi32, #tpu.memory_space<hbm>> -> memref<1x79x128xi32, #tpu.memory_space<hbm>>
      %dma_start3A_26 = tpu.memref_squeeze %dma_start3A_25 : memref<1x79x128xi32, #tpu.memory_space<hbm>> -> memref<79x128xi32, #tpu.memory_space<hbm>>
      %dma_start3A_27 = arith.constant 0 : i32
      %dma_start3A_28 = arith.constant 0 : i32
      %dma_start3A_29 = tpu.memref_slice %arg2[%arg1, %dma_start3A_27, %dma_start3A_28] : memref<16x79x128xi32, #tpu.memory_space<hbm>> -> memref<1x79x128xi32, #tpu.memory_space<hbm>>
      %dma_start3A_30 = tpu.memref_squeeze %dma_start3A_29 : memref<1x79x128xi32, #tpu.memory_space<hbm>> -> memref<79x128xi32, #tpu.memory_space<hbm>>
      tpu.enqueue_dma source(%dma_start3A_30 : memref<79x128xi32, #tpu.memory_space<hbm>>) target(%arg9 : memref<79x128xi32, #tpu.memory_space<vmem>>) target_semaphore(%run_scoped3A : memref<!tpu.dma_semaphore, #tpu.memory_space<semaphore_mem>>)
      %dma_wait3A = arith.constant 0 : i32
      %dma_wait3A_31 = arith.constant 0 : i32
      %dma_wait3A_32 = tpu.memref_slice %arg2[%arg1, %dma_wait3A, %dma_wait3A_31] : memref<16x79x128xi32, #tpu.memory_space<hbm>> -> memref<1x79x128xi32, #tpu.memory_space<hbm>>
      %dma_wait3A_33 = tpu.memref_squeeze %dma_wait3A_32 : memref<1x79x128xi32, #tpu.memory_space<hbm>> -> memref<79x128xi32, #tpu.memory_space<hbm>>
      %dma_wait3A_34 = arith.constant 0 : i32
      %dma_wait3A_35 = arith.constant 0 : i32
      %dma_wait3A_36 = tpu.memref_slice %arg2[%arg1, %dma_wait3A_34, %dma_wait3A_35] : memref<16x79x128xi32, #tpu.memory_space<hbm>> -> memref<1x79x128xi32, #tpu.memory_space<hbm>>
      %dma_wait3A_37 = tpu.memref_squeeze %dma_wait3A_36 : memref<1x79x128xi32, #tpu.memory_space<hbm>> -> memref<79x128xi32, #tpu.memory_space<hbm>>
      tpu.wait_dma2 semaphore(%run_scoped3A : memref<!tpu.dma_semaphore, #tpu.memory_space<semaphore_mem>>) src(%dma_wait3A_37 : memref<79x128xi32, #tpu.memory_space<hbm>>) dst(%arg9 : memref<79x128xi32, #tpu.memory_space<vmem>>)
      tpu.yield
    }) : () -> ()
    "tpu.region"() ({
      %run_scoped3A = tpu.sem_alloc : memref<!tpu.dma_semaphore, #tpu.memory_space<semaphore_mem>>
      %dma_start3A = arith.constant 0 : i32
      %dma_start3A_24 = arith.constant 0 : i32
      %dma_start3A_25 = tpu.memref_slice %arg3[%arg1, %dma_start3A, %dma_start3A_24] : memref<16x79x128xi32, #tpu.memory_space<hbm>> -> memref<1x79x128xi32, #tpu.memory_space<hbm>>
      %dma_start3A_26 = tpu.memref_squeeze %dma_start3A_25 : memref<1x79x128xi32, #tpu.memory_space<hbm>> -> memref<79x128xi32, #tpu.memory_space<hbm>>
      %dma_start3A_27 = arith.constant 0 : i32
      %dma_start3A_28 = arith.constant 0 : i32
      %dma_start3A_29 = tpu.memref_slice %arg3[%arg1, %dma_start3A_27, %dma_start3A_28] : memref<16x79x128xi32, #tpu.memory_space<hbm>> -> memref<1x79x128xi32, #tpu.memory_space<hbm>>
      %dma_start3A_30 = tpu.memref_squeeze %dma_start3A_29 : memref<1x79x128xi32, #tpu.memory_space<hbm>> -> memref<79x128xi32, #tpu.memory_space<hbm>>
      tpu.enqueue_dma source(%dma_start3A_30 : memref<79x128xi32, #tpu.memory_space<hbm>>) target(%arg10 : memref<79x128xi32, #tpu.memory_space<vmem>>) target_semaphore(%run_scoped3A : memref<!tpu.dma_semaphore, #tpu.memory_space<semaphore_mem>>)
      %dma_wait3A = arith.constant 0 : i32
      %dma_wait3A_31 = arith.constant 0 : i32
      %dma_wait3A_32 = tpu.memref_slice %arg3[%arg1, %dma_wait3A, %dma_wait3A_31] : memref<16x79x128xi32, #tpu.memory_space<hbm>> -> memref<1x79x128xi32, #tpu.memory_space<hbm>>
      %dma_wait3A_33 = tpu.memref_squeeze %dma_wait3A_32 : memref<1x79x128xi32, #tpu.memory_space<hbm>> -> memref<79x128xi32, #tpu.memory_space<hbm>>
      %dma_wait3A_34 = arith.constant 0 : i32
      %dma_wait3A_35 = arith.constant 0 : i32
      %dma_wait3A_36 = tpu.memref_slice %arg3[%arg1, %dma_wait3A_34, %dma_wait3A_35] : memref<16x79x128xi32, #tpu.memory_space<hbm>> -> memref<1x79x128xi32, #tpu.memory_space<hbm>>
      %dma_wait3A_37 = tpu.memref_squeeze %dma_wait3A_36 : memref<1x79x128xi32, #tpu.memory_space<hbm>> -> memref<79x128xi32, #tpu.memory_space<hbm>>
      tpu.wait_dma2 semaphore(%run_scoped3A : memref<!tpu.dma_semaphore, #tpu.memory_space<semaphore_mem>>) src(%dma_wait3A_37 : memref<79x128xi32, #tpu.memory_space<hbm>>) dst(%arg10 : memref<79x128xi32, #tpu.memory_space<vmem>>)
      tpu.yield
    }) : () -> ()
    %barrier3A = arith.constant 0 : index
    tpu.barrier barrier_id(%barrier3A)
    %eq3A = arith.constant 0 : i32
    %eq3A_2 = arith.cmpi eq, %arg0, %eq3A : i32
    %convert_element_type3A = arith.extui %eq3A_2 : i1 to i32
    %cond3A = arith.constant 0 : i32
    %cond3A_3 = arith.cmpi ne, %convert_element_type3A, %cond3A : i32
    scf.if %cond3A_3 {
      %scan3A = arith.constant 0 : i32
      %scan3A_24 = arith.constant 0 : i32
      %scan3A_25 = arith.constant 79 : i32
      %scan3A_26 = arith.addi %scan3A_24, %scan3A_25 : i32
      %scan3A_27 = arith.constant 1 : i32
      scf.for %scan3A_29 = %scan3A_24 to %scan3A_26 step %scan3A_27  : i32 {
        %dma_start3A = arith.constant 0 : i32
        %dma_start3A_30 = tpu.memref_slice %arg9[%scan3A_29, %dma_start3A] : memref<79x128xi32, #tpu.memory_space<vmem>> -> memref<1x128xi32, #tpu.memory_space<vmem>>
        %dma_start3A_31 = tpu.memref_squeeze %dma_start3A_30 : memref<1x128xi32, #tpu.memory_space<vmem>> -> memref<128xi32, #tpu.memory_space<vmem>>
        %dma_start3A_32 = arith.constant 0 : i32
        %dma_start3A_33 = arith.constant 0 : i32
        %dma_start3A_34 = tpu.memref_slice %arg4[%dma_start3A_32, %dma_start3A_33] : memref<10000x128xf32, #tpu.memory_space<hbm>> -> memref<10000x128xf32, #tpu.memory_space<hbm>>
        tpu.enqueue_indirect_dma source(%dma_start3A_34 : memref<10000x128xf32, #tpu.memory_space<hbm>>) target(%arg11 : memref<128x128xf32, #tpu.memory_space<vmem>>) offsets(%dma_start3A_31 : memref<128xi32, #tpu.memory_space<vmem>>) semaphore(%arg13 : memref<!tpu.dma_semaphore, #tpu.memory_space<semaphore_mem>>)
        %dma_wait3A = arith.constant 0 : i32
        %dma_wait3A_35 = tpu.memref_slice %arg9[%scan3A_29, %dma_wait3A] : memref<79x128xi32, #tpu.memory_space<vmem>> -> memref<1x128xi32, #tpu.memory_space<vmem>>
        %dma_wait3A_36 = tpu.memref_squeeze %dma_wait3A_35 : memref<1x128xi32, #tpu.memory_space<vmem>> -> memref<128xi32, #tpu.memory_space<vmem>>
        %dma_wait3A_37 = arith.constant 0 : i32
        %dma_wait3A_38 = arith.constant 0 : i32
        %dma_wait3A_39 = tpu.memref_slice %arg4[%dma_wait3A_37, %dma_wait3A_38] : memref<10000x128xf32, #tpu.memory_space<hbm>> -> memref<10000x128xf32, #tpu.memory_space<hbm>>
        tpu.wait_indirect_dma semaphore(%arg13 : memref<!tpu.dma_semaphore, #tpu.memory_space<semaphore_mem>>) src(%dma_wait3A_39 : memref<10000x128xf32, #tpu.memory_space<hbm>>) dst(%arg11 : memref<128x128xf32, #tpu.memory_space<vmem>>)
        "tpu.region"() ({
          %run_scoped3A = tpu.sem_alloc : memref<!tpu.dma_semaphore, #tpu.memory_space<semaphore_mem>>
          %dma_start3A_40 = arith.constant 0 : i32
          %dma_start3A_41 = tpu.memref_slice %arg10[%scan3A_29, %dma_start3A_40] : memref<79x128xi32, #tpu.memory_space<vmem>> -> memref<1x128xi32, #tpu.memory_space<vmem>>
          %dma_start3A_42 = tpu.memref_squeeze %dma_start3A_41 : memref<1x128xi32, #tpu.memory_space<vmem>> -> memref<128xi32, #tpu.memory_space<vmem>>
          %dma_start3A_43 = arith.constant 0 : i32
          %dma_start3A_44 = arith.constant 0 : i32
          %dma_start3A_45 = tpu.memref_slice %arg12[%dma_start3A_43, %dma_start3A_44] : memref<10128x128xf32, #tpu.memory_space<vmem_shared>> -> memref<10128x128xf32, #tpu.memory_space<vmem_shared>>
          tpu.enqueue_indirect_dma source(%arg11 : memref<128x128xf32, #tpu.memory_space<vmem>>) target(%dma_start3A_45 : memref<10128x128xf32, #tpu.memory_space<vmem_shared>>) offsets(%dma_start3A_42 : memref<128xi32, #tpu.memory_space<vmem>>) semaphore(%run_scoped3A : memref<!tpu.dma_semaphore, #tpu.memory_space<semaphore_mem>>) {add = true}
          %dma_wait3A_46 = arith.constant 0 : i32
          %dma_wait3A_47 = tpu.memref_slice %arg10[%scan3A_29, %dma_wait3A_46] : memref<79x128xi32, #tpu.memory_space<vmem>> -> memref<1x128xi32, #tpu.memory_space<vmem>>
          %dma_wait3A_48 = tpu.memref_squeeze %dma_wait3A_47 : memref<1x128xi32, #tpu.memory_space<vmem>> -> memref<128xi32, #tpu.memory_space<vmem>>
          %dma_wait3A_49 = arith.constant 0 : i32
          %dma_wait3A_50 = arith.constant 0 : i32
          %dma_wait3A_51 = tpu.memref_slice %arg12[%dma_wait3A_49, %dma_wait3A_50] : memref<10128x128xf32, #tpu.memory_space<vmem_shared>> -> memref<10128x128xf32, #tpu.memory_space<vmem_shared>>
          tpu.wait_indirect_dma semaphore(%run_scoped3A : memref<!tpu.dma_semaphore, #tpu.memory_space<semaphore_mem>>) src(%arg11 : memref<128x128xf32, #tpu.memory_space<vmem>>) dst(%dma_wait3A_51 : memref<10128x128xf32, #tpu.memory_space<vmem_shared>>)
          tpu.yield
        }) : () -> ()
      }
      %scan3A_28 = arith.constant 79 : i32
    } else {
    }
    %eq3A_4 = arith.constant 1 : i32
    %eq3A_5 = arith.cmpi eq, %arg0, %eq3A_4 : i32
    %convert_element_type3A_6 = arith.extui %eq3A_5 : i1 to i32
    %cond3A_7 = arith.constant 0 : i32
    %cond3A_8 = arith.cmpi ne, %convert_element_type3A_6, %cond3A_7 : i32
    scf.if %cond3A_8 {
      %scan3A = arith.constant 0 : i32
      %scan3A_24 = arith.constant 0 : i32
      %scan3A_25 = arith.constant 79 : i32
      %scan3A_26 = arith.addi %scan3A_24, %scan3A_25 : i32
      %scan3A_27 = arith.constant 1 : i32
      scf.for %scan3A_29 = %scan3A_24 to %scan3A_26 step %scan3A_27  : i32 {
        %dma_start3A = arith.constant 0 : i32
        %dma_start3A_30 = tpu.memref_slice %arg9[%scan3A_29, %dma_start3A] : memref<79x128xi32, #tpu.memory_space<vmem>> -> memref<1x128xi32, #tpu.memory_space<vmem>>
        %dma_start3A_31 = tpu.memref_squeeze %dma_start3A_30 : memref<1x128xi32, #tpu.memory_space<vmem>> -> memref<128xi32, #tpu.memory_space<vmem>>
        %dma_start3A_32 = arith.constant 0 : i32
        %dma_start3A_33 = arith.constant 0 : i32
        %dma_start3A_34 = tpu.memref_slice %arg5[%dma_start3A_32, %dma_start3A_33] : memref<10000x128xf32, #tpu.memory_space<hbm>> -> memref<10000x128xf32, #tpu.memory_space<hbm>>
        tpu.enqueue_indirect_dma source(%dma_start3A_34 : memref<10000x128xf32, #tpu.memory_space<hbm>>) target(%arg11 : memref<128x128xf32, #tpu.memory_space<vmem>>) offsets(%dma_start3A_31 : memref<128xi32, #tpu.memory_space<vmem>>) semaphore(%arg13 : memref<!tpu.dma_semaphore, #tpu.memory_space<semaphore_mem>>)
        %dma_wait3A = arith.constant 0 : i32
        %dma_wait3A_35 = tpu.memref_slice %arg9[%scan3A_29, %dma_wait3A] : memref<79x128xi32, #tpu.memory_space<vmem>> -> memref<1x128xi32, #tpu.memory_space<vmem>>
        %dma_wait3A_36 = tpu.memref_squeeze %dma_wait3A_35 : memref<1x128xi32, #tpu.memory_space<vmem>> -> memref<128xi32, #tpu.memory_space<vmem>>
        %dma_wait3A_37 = arith.constant 0 : i32
        %dma_wait3A_38 = arith.constant 0 : i32
        %dma_wait3A_39 = tpu.memref_slice %arg5[%dma_wait3A_37, %dma_wait3A_38] : memref<10000x128xf32, #tpu.memory_space<hbm>> -> memref<10000x128xf32, #tpu.memory_space<hbm>>
        tpu.wait_indirect_dma semaphore(%arg13 : memref<!tpu.dma_semaphore, #tpu.memory_space<semaphore_mem>>) src(%dma_wait3A_39 : memref<10000x128xf32, #tpu.memory_space<hbm>>) dst(%arg11 : memref<128x128xf32, #tpu.memory_space<vmem>>)
        "tpu.region"() ({
          %run_scoped3A = tpu.sem_alloc : memref<!tpu.dma_semaphore, #tpu.memory_space<semaphore_mem>>
          %dma_start3A_40 = arith.constant 0 : i32
          %dma_start3A_41 = tpu.memref_slice %arg10[%scan3A_29, %dma_start3A_40] : memref<79x128xi32, #tpu.memory_space<vmem>> -> memref<1x128xi32, #tpu.memory_space<vmem>>
          %dma_start3A_42 = tpu.memref_squeeze %dma_start3A_41 : memref<1x128xi32, #tpu.memory_space<vmem>> -> memref<128xi32, #tpu.memory_space<vmem>>
          %dma_start3A_43 = arith.constant 0 : i32
          %dma_start3A_44 = arith.constant 0 : i32
          %dma_start3A_45 = tpu.memref_slice %arg12[%dma_start3A_43, %dma_start3A_44] : memref<10128x128xf32, #tpu.memory_space<vmem_shared>> -> memref<10128x128xf32, #tpu.memory_space<vmem_shared>>
          tpu.enqueue_indirect_dma source(%arg11 : memref<128x128xf32, #tpu.memory_space<vmem>>) target(%dma_start3A_45 : memref<10128x128xf32, #tpu.memory_space<vmem_shared>>) offsets(%dma_start3A_42 : memref<128xi32, #tpu.memory_space<vmem>>) semaphore(%run_scoped3A : memref<!tpu.dma_semaphore, #tpu.memory_space<semaphore_mem>>) {add = true}
          %dma_wait3A_46 = arith.constant 0 : i32
          %dma_wait3A_47 = tpu.memref_slice %arg10[%scan3A_29, %dma_wait3A_46] : memref<79x128xi32, #tpu.memory_space<vmem>> -> memref<1x128xi32, #tpu.memory_space<vmem>>
          %dma_wait3A_48 = tpu.memref_squeeze %dma_wait3A_47 : memref<1x128xi32, #tpu.memory_space<vmem>> -> memref<128xi32, #tpu.memory_space<vmem>>
          %dma_wait3A_49 = arith.constant 0 : i32
          %dma_wait3A_50 = arith.constant 0 : i32
          %dma_wait3A_51 = tpu.memref_slice %arg12[%dma_wait3A_49, %dma_wait3A_50] : memref<10128x128xf32, #tpu.memory_space<vmem_shared>> -> memref<10128x128xf32, #tpu.memory_space<vmem_shared>>
          tpu.wait_indirect_dma semaphore(%run_scoped3A : memref<!tpu.dma_semaphore, #tpu.memory_space<semaphore_mem>>) src(%arg11 : memref<128x128xf32, #tpu.memory_space<vmem>>) dst(%dma_wait3A_51 : memref<10128x128xf32, #tpu.memory_space<vmem_shared>>)
          tpu.yield
        }) : () -> ()
      }
      %scan3A_28 = arith.constant 79 : i32
    } else {
    }
    %barrier3A_9 = arith.constant 0 : index
    tpu.barrier barrier_id(%barrier3A_9)
    %mul3A_10 = arith.constant 640 : i32
    %mul3A_11 = arith.muli %arg1, %mul3A_10 : i32
    %min3A_12 = arith.constant 9360 : i32
    %min3A_13 = arith.minsi %mul3A_11, %min3A_12 : i32
    %eq3A_14 = arith.constant 0 : i32
    %eq3A_15 = arith.cmpi eq, %arg0, %eq3A_14 : i32
    %convert_element_type3A_16 = arith.extui %eq3A_15 : i1 to i32
    %cond3A_17 = arith.constant 0 : i32
    %cond3A_18 = arith.cmpi ne, %convert_element_type3A_16, %cond3A_17 : i32
    scf.if %cond3A_18 {
      "tpu.region"() ({
        %run_scoped3A = tpu.sem_alloc : memref<!tpu.dma_semaphore, #tpu.memory_space<semaphore_mem>>
        %dma_start3A = arith.constant 0 : i32
        %dma_start3A_24 = tpu.memref_slice %arg7[%min3A_13, %dma_start3A] : memref<10000x128xf32, #tpu.memory_space<hbm>> -> memref<640x128xf32, #tpu.memory_space<hbm>>
        %dma_start3A_25 = arith.constant 0 : i32
        %dma_start3A_26 = tpu.memref_slice %arg12[%min3A_13, %dma_start3A_25] : memref<10128x128xf32, #tpu.memory_space<vmem_shared>> -> memref<640x128xf32, #tpu.memory_space<vmem_shared>>
        tpu.enqueue_dma source(%dma_start3A_26 : memref<640x128xf32, #tpu.memory_space<vmem_shared>>) target(%dma_start3A_24 : memref<640x128xf32, #tpu.memory_space<hbm>>) target_semaphore(%run_scoped3A : memref<!tpu.dma_semaphore, #tpu.memory_space<semaphore_mem>>)
        %dma_wait3A = arith.constant 0 : i32
        %dma_wait3A_27 = tpu.memref_slice %arg7[%min3A_13, %dma_wait3A] : memref<10000x128xf32, #tpu.memory_space<hbm>> -> memref<640x128xf32, #tpu.memory_space<hbm>>
        %dma_wait3A_28 = arith.constant 0 : i32
        %dma_wait3A_29 = tpu.memref_slice %arg12[%min3A_13, %dma_wait3A_28] : memref<10128x128xf32, #tpu.memory_space<vmem_shared>> -> memref<640x128xf32, #tpu.memory_space<vmem_shared>>
        tpu.wait_dma2 semaphore(%run_scoped3A : memref<!tpu.dma_semaphore, #tpu.memory_space<semaphore_mem>>) src(%dma_wait3A_29 : memref<640x128xf32, #tpu.memory_space<vmem_shared>>) dst(%dma_wait3A_27 : memref<640x128xf32, #tpu.memory_space<hbm>>)
        tpu.yield
      }) : () -> ()
    } else {
    }
    %eq3A_19 = arith.constant 1 : i32
    %eq3A_20 = arith.cmpi eq, %arg0, %eq3A_19 : i32
    %convert_element_type3A_21 = arith.extui %eq3A_20 : i1 to i32
    %cond3A_22 = arith.constant 0 : i32
    %cond3A_23 = arith.cmpi ne, %convert_element_type3A_21, %cond3A_22 : i32
    scf.if %cond3A_23 {
      "tpu.region"() ({
        %run_scoped3A = tpu.sem_alloc : memref<!tpu.dma_semaphore, #tpu.memory_space<semaphore_mem>>
        %dma_start3A = arith.constant 0 : i32
        %dma_start3A_24 = tpu.memref_slice %arg8[%min3A_13, %dma_start3A] : memref<10000x128xf32, #tpu.memory_space<hbm>> -> memref<640x128xf32, #tpu.memory_space<hbm>>
        %dma_start3A_25 = arith.constant 0 : i32
        %dma_start3A_26 = tpu.memref_slice %arg12[%min3A_13, %dma_start3A_25] : memref<10128x128xf32, #tpu.memory_space<vmem_shared>> -> memref<640x128xf32, #tpu.memory_space<vmem_shared>>
        tpu.enqueue_dma source(%dma_start3A_26 : memref<640x128xf32, #tpu.memory_space<vmem_shared>>) target(%dma_start3A_24 : memref<640x128xf32, #tpu.memory_space<hbm>>) target_semaphore(%run_scoped3A : memref<!tpu.dma_semaphore, #tpu.memory_space<semaphore_mem>>)
        %dma_wait3A = arith.constant 0 : i32
        %dma_wait3A_27 = tpu.memref_slice %arg8[%min3A_13, %dma_wait3A] : memref<10000x128xf32, #tpu.memory_space<hbm>> -> memref<640x128xf32, #tpu.memory_space<hbm>>
        %dma_wait3A_28 = arith.constant 0 : i32
        %dma_wait3A_29 = tpu.memref_slice %arg12[%min3A_13, %dma_wait3A_28] : memref<10128x128xf32, #tpu.memory_space<vmem_shared>> -> memref<640x128xf32, #tpu.memory_space<vmem_shared>>
        tpu.wait_dma2 semaphore(%run_scoped3A : memref<!tpu.dma_semaphore, #tpu.memory_space<semaphore_mem>>) src(%dma_wait3A_29 : memref<640x128xf32, #tpu.memory_space<vmem_shared>>) dst(%dma_wait3A_27 : memref<640x128xf32, #tpu.memory_space<hbm>>)
        tpu.yield
      }) : () -> ()
    } else {
    }
    return
  }
}

#map = affine_map<(d0, d1) -> (0, 0, 0)>
#map1 = affine_map<(d0, d1) -> (0, 0)>
module attributes {stable_mosaic.version = 14 : i64} {
  func.func @_agg_body(%arg0: i32, %arg1: i32, %arg2: memref<16x79x128xi32, #tpu.memory_space<hbm>>, %arg3: memref<16x79x128xi32, #tpu.memory_space<hbm>>, %arg4: memref<10000x128xf32, #tpu.memory_space<hbm>>, %arg5: memref<10000x128xf32, #tpu.memory_space<hbm>>, %arg6: memref<640x128xf32, #tpu.memory_space<hbm>>, %arg7: memref<10000x128xf32, #tpu.memory_space<hbm>>, %arg8: memref<10000x128xf32, #tpu.memory_space<hbm>>, %arg9: memref<79x128xi32, #tpu.memory_space<vmem>>, %arg10: memref<79x128xi32, #tpu.memory_space<vmem>>, %arg11: memref<128x128xf32, #tpu.memory_space<vmem>>, %arg12: memref<10128x128xf32, #tpu.memory_space<vmem_shared>>, %arg13: memref<!tpu.dma_semaphore, #tpu.memory_space<semaphore_mem>>) attributes {dimension_semantics = [#tpu.dimension_semantics<core_parallel>, #tpu.dimension_semantics<subcore_parallel>], iteration_bounds = array<i64: 2, 16>, scalar_prefetch = 0 : i64, scratch_operands = 5 : i64, tpu.core_type = #tpu.core_type<sc_vector_subcore>, window_params = [{transform_indices = #map}, {transform_indices = #map}, {transform_indices = #map1}, {transform_indices = #map1}, {transform_indices = #map1}, {transform_indices = #map1}, {transform_indices = #map1}]} {
    %mul3A = arith.constant 640 : i32
    %mul3A_0 = arith.muli %arg1, %mul3A : i32
    %min3A = arith.constant 9488 : i32
    %min3A_1 = arith.minsi %mul3A_0, %min3A : i32
    "tpu.region"() ({
      %run_scoped3A = tpu.sem_alloc : memref<!tpu.dma_semaphore, #tpu.memory_space<semaphore_mem>>
      %dma_start3A = arith.constant 0 : i32
      %dma_start3A_24 = tpu.memref_slice %arg12[%min3A_1, %dma_start3A] : memref<10128x128xf32, #tpu.memory_space<vmem_shared>> -> memref<640x128xf32, #tpu.memory_space<vmem_shared>>
      tpu.enqueue_dma source(%arg6 : memref<640x128xf32, #tpu.memory_space<hbm>>) target(%dma_start3A_24 : memref<640x128xf32, #tpu.memory_space<vmem_shared>>) target_semaphore(%run_scoped3A : memref<!tpu.dma_semaphore, #tpu.memory_space<semaphore_mem>>)
      %dma_wait3A = arith.constant 0 : i32
      %dma_wait3A_25 = tpu.memref_slice %arg12[%min3A_1, %dma_wait3A] : memref<10128x128xf32, #tpu.memory_space<vmem_shared>> -> memref<640x128xf32, #tpu.memory_space<vmem_shared>>
      tpu.wait_dma2 semaphore(%run_scoped3A : memref<!tpu.dma_semaphore, #tpu.memory_space<semaphore_mem>>) src(%arg6 : memref<640x128xf32, #tpu.memory_space<hbm>>) dst(%dma_wait3A_25 : memref<640x128xf32, #tpu.memory_space<vmem_shared>>)
      tpu.yield
    }) : () -> ()
    "tpu.region"() ({
      %run_scoped3A = tpu.sem_alloc : memref<!tpu.dma_semaphore, #tpu.memory_space<semaphore_mem>>
      %dma_start3A = arith.constant 0 : i32
      %dma_start3A_24 = arith.constant 0 : i32
      %dma_start3A_25 = tpu.memref_slice %arg2[%arg1, %dma_start3A, %dma_start3A_24] : memref<16x79x128xi32, #tpu.memory_space<hbm>> -> memref<1x79x128xi32, #tpu.memory_space<hbm>>
      %dma_start3A_26 = tpu.memref_squeeze %dma_start3A_25 : memref<1x79x128xi32, #tpu.memory_space<hbm>> -> memref<79x128xi32, #tpu.memory_space<hbm>>
      %dma_start3A_27 = arith.constant 0 : i32
      %dma_start3A_28 = arith.constant 0 : i32
      %dma_start3A_29 = tpu.memref_slice %arg2[%arg1, %dma_start3A_27, %dma_start3A_28] : memref<16x79x128xi32, #tpu.memory_space<hbm>> -> memref<1x79x128xi32, #tpu.memory_space<hbm>>
      %dma_start3A_30 = tpu.memref_squeeze %dma_start3A_29 : memref<1x79x128xi32, #tpu.memory_space<hbm>> -> memref<79x128xi32, #tpu.memory_space<hbm>>
      tpu.enqueue_dma source(%dma_start3A_30 : memref<79x128xi32, #tpu.memory_space<hbm>>) target(%arg9 : memref<79x128xi32, #tpu.memory_space<vmem>>) target_semaphore(%run_scoped3A : memref<!tpu.dma_semaphore, #tpu.memory_space<semaphore_mem>>)
      %dma_wait3A = arith.constant 0 : i32
      %dma_wait3A_31 = arith.constant 0 : i32
      %dma_wait3A_32 = tpu.memref_slice %arg2[%arg1, %dma_wait3A, %dma_wait3A_31] : memref<16x79x128xi32, #tpu.memory_space<hbm>> -> memref<1x79x128xi32, #tpu.memory_space<hbm>>
      %dma_wait3A_33 = tpu.memref_squeeze %dma_wait3A_32 : memref<1x79x128xi32, #tpu.memory_space<hbm>> -> memref<79x128xi32, #tpu.memory_space<hbm>>
      %dma_wait3A_34 = arith.constant 0 : i32
      %dma_wait3A_35 = arith.constant 0 : i32
      %dma_wait3A_36 = tpu.memref_slice %arg2[%arg1, %dma_wait3A_34, %dma_wait3A_35] : memref<16x79x128xi32, #tpu.memory_space<hbm>> -> memref<1x79x128xi32, #tpu.memory_space<hbm>>
      %dma_wait3A_37 = tpu.memref_squeeze %dma_wait3A_36 : memref<1x79x128xi32, #tpu.memory_space<hbm>> -> memref<79x128xi32, #tpu.memory_space<hbm>>
      tpu.wait_dma2 semaphore(%run_scoped3A : memref<!tpu.dma_semaphore, #tpu.memory_space<semaphore_mem>>) src(%dma_wait3A_37 : memref<79x128xi32, #tpu.memory_space<hbm>>) dst(%arg9 : memref<79x128xi32, #tpu.memory_space<vmem>>)
      tpu.yield
    }) : () -> ()
    "tpu.region"() ({
      %run_scoped3A = tpu.sem_alloc : memref<!tpu.dma_semaphore, #tpu.memory_space<semaphore_mem>>
      %dma_start3A = arith.constant 0 : i32
      %dma_start3A_24 = arith.constant 0 : i32
      %dma_start3A_25 = tpu.memref_slice %arg3[%arg1, %dma_start3A, %dma_start3A_24] : memref<16x79x128xi32, #tpu.memory_space<hbm>> -> memref<1x79x128xi32, #tpu.memory_space<hbm>>
      %dma_start3A_26 = tpu.memref_squeeze %dma_start3A_25 : memref<1x79x128xi32, #tpu.memory_space<hbm>> -> memref<79x128xi32, #tpu.memory_space<hbm>>
      %dma_start3A_27 = arith.constant 0 : i32
      %dma_start3A_28 = arith.constant 0 : i32
      %dma_start3A_29 = tpu.memref_slice %arg3[%arg1, %dma_start3A_27, %dma_start3A_28] : memref<16x79x128xi32, #tpu.memory_space<hbm>> -> memref<1x79x128xi32, #tpu.memory_space<hbm>>
      %dma_start3A_30 = tpu.memref_squeeze %dma_start3A_29 : memref<1x79x128xi32, #tpu.memory_space<hbm>> -> memref<79x128xi32, #tpu.memory_space<hbm>>
      tpu.enqueue_dma source(%dma_start3A_30 : memref<79x128xi32, #tpu.memory_space<hbm>>) target(%arg10 : memref<79x128xi32, #tpu.memory_space<vmem>>) target_semaphore(%run_scoped3A : memref<!tpu.dma_semaphore, #tpu.memory_space<semaphore_mem>>)
      %dma_wait3A = arith.constant 0 : i32
      %dma_wait3A_31 = arith.constant 0 : i32
      %dma_wait3A_32 = tpu.memref_slice %arg3[%arg1, %dma_wait3A, %dma_wait3A_31] : memref<16x79x128xi32, #tpu.memory_space<hbm>> -> memref<1x79x128xi32, #tpu.memory_space<hbm>>
      %dma_wait3A_33 = tpu.memref_squeeze %dma_wait3A_32 : memref<1x79x128xi32, #tpu.memory_space<hbm>> -> memref<79x128xi32, #tpu.memory_space<hbm>>
      %dma_wait3A_34 = arith.constant 0 : i32
      %dma_wait3A_35 = arith.constant 0 : i32
      %dma_wait3A_36 = tpu.memref_slice %arg3[%arg1, %dma_wait3A_34, %dma_wait3A_35] : memref<16x79x128xi32, #tpu.memory_space<hbm>> -> memref<1x79x128xi32, #tpu.memory_space<hbm>>
      %dma_wait3A_37 = tpu.memref_squeeze %dma_wait3A_36 : memref<1x79x128xi32, #tpu.memory_space<hbm>> -> memref<79x128xi32, #tpu.memory_space<hbm>>
      tpu.wait_dma2 semaphore(%run_scoped3A : memref<!tpu.dma_semaphore, #tpu.memory_space<semaphore_mem>>) src(%dma_wait3A_37 : memref<79x128xi32, #tpu.memory_space<hbm>>) dst(%arg10 : memref<79x128xi32, #tpu.memory_space<vmem>>)
      tpu.yield
    }) : () -> ()
    %barrier3A = arith.constant 0 : index
    tpu.barrier barrier_id(%barrier3A)
    %eq3A = arith.constant 0 : i32
    %eq3A_2 = arith.cmpi eq, %arg0, %eq3A : i32
    %convert_element_type3A = arith.extui %eq3A_2 : i1 to i32
    %cond3A = arith.constant 0 : i32
    %cond3A_3 = arith.cmpi ne, %convert_element_type3A, %cond3A : i32
    scf.if %cond3A_3 {
      %scan3A = arith.constant 0 : i32
      %scan3A_24 = arith.constant 0 : i32
      %scan3A_25 = arith.constant 79 : i32
      %scan3A_26 = arith.addi %scan3A_24, %scan3A_25 : i32
      %scan3A_27 = arith.constant 1 : i32
      scf.for %scan3A_29 = %scan3A_24 to %scan3A_26 step %scan3A_27  : i32 {
        %dma_start3A = arith.constant 0 : i32
        %dma_start3A_30 = tpu.memref_slice %arg9[%scan3A_29, %dma_start3A] : memref<79x128xi32, #tpu.memory_space<vmem>> -> memref<1x128xi32, #tpu.memory_space<vmem>>
        %dma_start3A_31 = tpu.memref_squeeze %dma_start3A_30 : memref<1x128xi32, #tpu.memory_space<vmem>> -> memref<128xi32, #tpu.memory_space<vmem>>
        %dma_start3A_32 = arith.constant 0 : i32
        %dma_start3A_33 = arith.constant 0 : i32
        %dma_start3A_34 = tpu.memref_slice %arg4[%dma_start3A_32, %dma_start3A_33] : memref<10000x128xf32, #tpu.memory_space<hbm>> -> memref<10000x128xf32, #tpu.memory_space<hbm>>
        tpu.enqueue_indirect_dma source(%dma_start3A_34 : memref<10000x128xf32, #tpu.memory_space<hbm>>) target(%arg11 : memref<128x128xf32, #tpu.memory_space<vmem>>) offsets(%dma_start3A_31 : memref<128xi32, #tpu.memory_space<vmem>>) semaphore(%arg13 : memref<!tpu.dma_semaphore, #tpu.memory_space<semaphore_mem>>)
        %dma_wait3A = arith.constant 0 : i32
        %dma_wait3A_35 = tpu.memref_slice %arg9[%scan3A_29, %dma_wait3A] : memref<79x128xi32, #tpu.memory_space<vmem>> -> memref<1x128xi32, #tpu.memory_space<vmem>>
        %dma_wait3A_36 = tpu.memref_squeeze %dma_wait3A_35 : memref<1x128xi32, #tpu.memory_space<vmem>> -> memref<128xi32, #tpu.memory_space<vmem>>
        %dma_wait3A_37 = arith.constant 0 : i32
        %dma_wait3A_38 = arith.constant 0 : i32
        %dma_wait3A_39 = tpu.memref_slice %arg4[%dma_wait3A_37, %dma_wait3A_38] : memref<10000x128xf32, #tpu.memory_space<hbm>> -> memref<10000x128xf32, #tpu.memory_space<hbm>>
        tpu.wait_indirect_dma semaphore(%arg13 : memref<!tpu.dma_semaphore, #tpu.memory_space<semaphore_mem>>) src(%dma_wait3A_39 : memref<10000x128xf32, #tpu.memory_space<hbm>>) dst(%arg11 : memref<128x128xf32, #tpu.memory_space<vmem>>)
        "tpu.region"() ({
          %run_scoped3A = tpu.sem_alloc : memref<!tpu.dma_semaphore, #tpu.memory_space<semaphore_mem>>
          %dma_start3A_40 = arith.constant 0 : i32
          %dma_start3A_41 = tpu.memref_slice %arg10[%scan3A_29, %dma_start3A_40] : memref<79x128xi32, #tpu.memory_space<vmem>> -> memref<1x128xi32, #tpu.memory_space<vmem>>
          %dma_start3A_42 = tpu.memref_squeeze %dma_start3A_41 : memref<1x128xi32, #tpu.memory_space<vmem>> -> memref<128xi32, #tpu.memory_space<vmem>>
          %dma_start3A_43 = arith.constant 0 : i32
          %dma_start3A_44 = arith.constant 0 : i32
          %dma_start3A_45 = tpu.memref_slice %arg12[%dma_start3A_43, %dma_start3A_44] : memref<10128x128xf32, #tpu.memory_space<vmem_shared>> -> memref<10128x128xf32, #tpu.memory_space<vmem_shared>>
          tpu.enqueue_indirect_dma source(%arg11 : memref<128x128xf32, #tpu.memory_space<vmem>>) target(%dma_start3A_45 : memref<10128x128xf32, #tpu.memory_space<vmem_shared>>) offsets(%dma_start3A_42 : memref<128xi32, #tpu.memory_space<vmem>>) semaphore(%run_scoped3A : memref<!tpu.dma_semaphore, #tpu.memory_space<semaphore_mem>>) {add = true}
          %dma_wait3A_46 = arith.constant 0 : i32
          %dma_wait3A_47 = tpu.memref_slice %arg10[%scan3A_29, %dma_wait3A_46] : memref<79x128xi32, #tpu.memory_space<vmem>> -> memref<1x128xi32, #tpu.memory_space<vmem>>
          %dma_wait3A_48 = tpu.memref_squeeze %dma_wait3A_47 : memref<1x128xi32, #tpu.memory_space<vmem>> -> memref<128xi32, #tpu.memory_space<vmem>>
          %dma_wait3A_49 = arith.constant 0 : i32
          %dma_wait3A_50 = arith.constant 0 : i32
          %dma_wait3A_51 = tpu.memref_slice %arg12[%dma_wait3A_49, %dma_wait3A_50] : memref<10128x128xf32, #tpu.memory_space<vmem_shared>> -> memref<10128x128xf32, #tpu.memory_space<vmem_shared>>
          tpu.wait_indirect_dma semaphore(%run_scoped3A : memref<!tpu.dma_semaphore, #tpu.memory_space<semaphore_mem>>) src(%arg11 : memref<128x128xf32, #tpu.memory_space<vmem>>) dst(%dma_wait3A_51 : memref<10128x128xf32, #tpu.memory_space<vmem_shared>>)
          tpu.yield
        }) : () -> ()
      }
      %scan3A_28 = arith.constant 79 : i32
    } else {
    }
    %eq3A_4 = arith.constant 1 : i32
    %eq3A_5 = arith.cmpi eq, %arg0, %eq3A_4 : i32
    %convert_element_type3A_6 = arith.extui %eq3A_5 : i1 to i32
    %cond3A_7 = arith.constant 0 : i32
    %cond3A_8 = arith.cmpi ne, %convert_element_type3A_6, %cond3A_7 : i32
    scf.if %cond3A_8 {
      %scan3A = arith.constant 0 : i32
      %scan3A_24 = arith.constant 0 : i32
      %scan3A_25 = arith.constant 79 : i32
      %scan3A_26 = arith.addi %scan3A_24, %scan3A_25 : i32
      %scan3A_27 = arith.constant 1 : i32
      scf.for %scan3A_29 = %scan3A_24 to %scan3A_26 step %scan3A_27  : i32 {
        %dma_start3A = arith.constant 0 : i32
        %dma_start3A_30 = tpu.memref_slice %arg9[%scan3A_29, %dma_start3A] : memref<79x128xi32, #tpu.memory_space<vmem>> -> memref<1x128xi32, #tpu.memory_space<vmem>>
        %dma_start3A_31 = tpu.memref_squeeze %dma_start3A_30 : memref<1x128xi32, #tpu.memory_space<vmem>> -> memref<128xi32, #tpu.memory_space<vmem>>
        %dma_start3A_32 = arith.constant 0 : i32
        %dma_start3A_33 = arith.constant 0 : i32
        %dma_start3A_34 = tpu.memref_slice %arg5[%dma_start3A_32, %dma_start3A_33] : memref<10000x128xf32, #tpu.memory_space<hbm>> -> memref<10000x128xf32, #tpu.memory_space<hbm>>
        tpu.enqueue_indirect_dma source(%dma_start3A_34 : memref<10000x128xf32, #tpu.memory_space<hbm>>) target(%arg11 : memref<128x128xf32, #tpu.memory_space<vmem>>) offsets(%dma_start3A_31 : memref<128xi32, #tpu.memory_space<vmem>>) semaphore(%arg13 : memref<!tpu.dma_semaphore, #tpu.memory_space<semaphore_mem>>)
        %dma_wait3A = arith.constant 0 : i32
        %dma_wait3A_35 = tpu.memref_slice %arg9[%scan3A_29, %dma_wait3A] : memref<79x128xi32, #tpu.memory_space<vmem>> -> memref<1x128xi32, #tpu.memory_space<vmem>>
        %dma_wait3A_36 = tpu.memref_squeeze %dma_wait3A_35 : memref<1x128xi32, #tpu.memory_space<vmem>> -> memref<128xi32, #tpu.memory_space<vmem>>
        %dma_wait3A_37 = arith.constant 0 : i32
        %dma_wait3A_38 = arith.constant 0 : i32
        %dma_wait3A_39 = tpu.memref_slice %arg5[%dma_wait3A_37, %dma_wait3A_38] : memref<10000x128xf32, #tpu.memory_space<hbm>> -> memref<10000x128xf32, #tpu.memory_space<hbm>>
        tpu.wait_indirect_dma semaphore(%arg13 : memref<!tpu.dma_semaphore, #tpu.memory_space<semaphore_mem>>) src(%dma_wait3A_39 : memref<10000x128xf32, #tpu.memory_space<hbm>>) dst(%arg11 : memref<128x128xf32, #tpu.memory_space<vmem>>)
        "tpu.region"() ({
          %run_scoped3A = tpu.sem_alloc : memref<!tpu.dma_semaphore, #tpu.memory_space<semaphore_mem>>
          %dma_start3A_40 = arith.constant 0 : i32
          %dma_start3A_41 = tpu.memref_slice %arg10[%scan3A_29, %dma_start3A_40] : memref<79x128xi32, #tpu.memory_space<vmem>> -> memref<1x128xi32, #tpu.memory_space<vmem>>
          %dma_start3A_42 = tpu.memref_squeeze %dma_start3A_41 : memref<1x128xi32, #tpu.memory_space<vmem>> -> memref<128xi32, #tpu.memory_space<vmem>>
          %dma_start3A_43 = arith.constant 0 : i32
          %dma_start3A_44 = arith.constant 0 : i32
          %dma_start3A_45 = tpu.memref_slice %arg12[%dma_start3A_43, %dma_start3A_44] : memref<10128x128xf32, #tpu.memory_space<vmem_shared>> -> memref<10128x128xf32, #tpu.memory_space<vmem_shared>>
          tpu.enqueue_indirect_dma source(%arg11 : memref<128x128xf32, #tpu.memory_space<vmem>>) target(%dma_start3A_45 : memref<10128x128xf32, #tpu.memory_space<vmem_shared>>) offsets(%dma_start3A_42 : memref<128xi32, #tpu.memory_space<vmem>>) semaphore(%run_scoped3A : memref<!tpu.dma_semaphore, #tpu.memory_space<semaphore_mem>>) {add = true}
          %dma_wait3A_46 = arith.constant 0 : i32
          %dma_wait3A_47 = tpu.memref_slice %arg10[%scan3A_29, %dma_wait3A_46] : memref<79x128xi32, #tpu.memory_space<vmem>> -> memref<1x128xi32, #tpu.memory_space<vmem>>
          %dma_wait3A_48 = tpu.memref_squeeze %dma_wait3A_47 : memref<1x128xi32, #tpu.memory_space<vmem>> -> memref<128xi32, #tpu.memory_space<vmem>>
          %dma_wait3A_49 = arith.constant 0 : i32
          %dma_wait3A_50 = arith.constant 0 : i32
          %dma_wait3A_51 = tpu.memref_slice %arg12[%dma_wait3A_49, %dma_wait3A_50] : memref<10128x128xf32, #tpu.memory_space<vmem_shared>> -> memref<10128x128xf32, #tpu.memory_space<vmem_shared>>
          tpu.wait_indirect_dma semaphore(%run_scoped3A : memref<!tpu.dma_semaphore, #tpu.memory_space<semaphore_mem>>) src(%arg11 : memref<128x128xf32, #tpu.memory_space<vmem>>) dst(%dma_wait3A_51 : memref<10128x128xf32, #tpu.memory_space<vmem_shared>>)
          tpu.yield
        }) : () -> ()
      }
      %scan3A_28 = arith.constant 79 : i32
    } else {
    }
    %barrier3A_9 = arith.constant 0 : index
    tpu.barrier barrier_id(%barrier3A_9)
    %mul3A_10 = arith.constant 640 : i32
    %mul3A_11 = arith.muli %arg1, %mul3A_10 : i32
    %min3A_12 = arith.constant 9360 : i32
    %min3A_13 = arith.minsi %mul3A_11, %min3A_12 : i32
    %eq3A_14 = arith.constant 0 : i32
    %eq3A_15 = arith.cmpi eq, %arg0, %eq3A_14 : i32
    %convert_element_type3A_16 = arith.extui %eq3A_15 : i1 to i32
    %cond3A_17 = arith.constant 0 : i32
    %cond3A_18 = arith.cmpi ne, %convert_element_type3A_16, %cond3A_17 : i32
    scf.if %cond3A_18 {
      "tpu.region"() ({
        %run_scoped3A = tpu.sem_alloc : memref<!tpu.dma_semaphore, #tpu.memory_space<semaphore_mem>>
        %dma_start3A = arith.constant 0 : i32
        %dma_start3A_24 = tpu.memref_slice %arg7[%min3A_13, %dma_start3A] : memref<10000x128xf32, #tpu.memory_space<hbm>> -> memref<640x128xf32, #tpu.memory_space<hbm>>
        %dma_start3A_25 = arith.constant 0 : i32
        %dma_start3A_26 = tpu.memref_slice %arg12[%min3A_13, %dma_start3A_25] : memref<10128x128xf32, #tpu.memory_space<vmem_shared>> -> memref<640x128xf32, #tpu.memory_space<vmem_shared>>
        tpu.enqueue_dma source(%dma_start3A_26 : memref<640x128xf32, #tpu.memory_space<vmem_shared>>) target(%dma_start3A_24 : memref<640x128xf32, #tpu.memory_space<hbm>>) target_semaphore(%run_scoped3A : memref<!tpu.dma_semaphore, #tpu.memory_space<semaphore_mem>>)
        %dma_wait3A = arith.constant 0 : i32
        %dma_wait3A_27 = tpu.memref_slice %arg7[%min3A_13, %dma_wait3A] : memref<10000x128xf32, #tpu.memory_space<hbm>> -> memref<640x128xf32, #tpu.memory_space<hbm>>
        %dma_wait3A_28 = arith.constant 0 : i32
        %dma_wait3A_29 = tpu.memref_slice %arg12[%min3A_13, %dma_wait3A_28] : memref<10128x128xf32, #tpu.memory_space<vmem_shared>> -> memref<640x128xf32, #tpu.memory_space<vmem_shared>>
        tpu.wait_dma2 semaphore(%run_scoped3A : memref<!tpu.dma_semaphore, #tpu.memory_space<semaphore_mem>>) src(%dma_wait3A_29 : memref<640x128xf32, #tpu.memory_space<vmem_shared>>) dst(%dma_wait3A_27 : memref<640x128xf32, #tpu.memory_space<hbm>>)
        tpu.yield
      }) : () -> ()
    } else {
    }
    %eq3A_19 = arith.constant 1 : i32
    %eq3A_20 = arith.cmpi eq, %arg0, %eq3A_19 : i32
    %convert_element_type3A_21 = arith.extui %eq3A_20 : i1 to i32
    %cond3A_22 = arith.constant 0 : i32
    %cond3A_23 = arith.cmpi ne, %convert_element_type3A_21, %cond3A_22 : i32
    scf.if %cond3A_23 {
      "tpu.region"() ({
        %run_scoped3A = tpu.sem_alloc : memref<!tpu.dma_semaphore, #tpu.memory_space<semaphore_mem>>
        %dma_start3A = arith.constant 0 : i32
        %dma_start3A_24 = tpu.memref_slice %arg8[%min3A_13, %dma_start3A] : memref<10000x128xf32, #tpu.memory_space<hbm>> -> memref<640x128xf32, #tpu.memory_space<hbm>>
        %dma_start3A_25 = arith.constant 0 : i32
        %dma_start3A_26 = tpu.memref_slice %arg12[%min3A_13, %dma_start3A_25] : memref<10128x128xf32, #tpu.memory_space<vmem_shared>> -> memref<640x128xf32, #tpu.memory_space<vmem_shared>>
        tpu.enqueue_dma source(%dma_start3A_26 : memref<640x128xf32, #tpu.memory_space<vmem_shared>>) target(%dma_start3A_24 : memref<640x128xf32, #tpu.memory_space<hbm>>) target_semaphore(%run_scoped3A : memref<!tpu.dma_semaphore, #tpu.memory_space<semaphore_mem>>)
        %dma_wait3A = arith.constant 0 : i32
        %dma_wait3A_27 = tpu.memref_slice %arg8[%min3A_13, %dma_wait3A] : memref<10000x128xf32, #tpu.memory_space<hbm>> -> memref<640x128xf32, #tpu.memory_space<hbm>>
        %dma_wait3A_28 = arith.constant 0 : i32
        %dma_wait3A_29 = tpu.memref_slice %arg12[%min3A_13, %dma_wait3A_28] : memref<10128x128xf32, #tpu.memory_space<vmem_shared>> -> memref<640x128xf32, #tpu.memory_space<vmem_shared>>
        tpu.wait_dma2 semaphore(%run_scoped3A : memref<!tpu.dma_semaphore, #tpu.memory_space<semaphore_mem>>) src(%dma_wait3A_29 : memref<640x128xf32, #tpu.memory_space<vmem_shared>>) dst(%dma_wait3A_27 : memref<640x128xf32, #tpu.memory_space<hbm>>)
        tpu.yield
      }) : () -> ()
    } else {
    }
    return
  }
}

module attributes {stable_mosaic.version = 14 : i64} {
  func.func @_stage_a_body(%arg0: i32, %arg1: memref<2000x256xf32, #tpu.memory_space<vmem>>, %arg2: memref<2000x128xf32, #tpu.memory_space<vmem>>, %arg3: memref<2000x128xf32, #tpu.memory_space<vmem>>, %arg4: memref<2000x64xf32, #tpu.memory_space<vmem>>, %arg5: memref<256x256xf32, #tpu.memory_space<vmem>>, %arg6: memref<128x256xf32, #tpu.memory_space<vmem>>, %arg7: memref<128x256xf32, #tpu.memory_space<vmem>>, %arg8: memref<1x256xf32, #tpu.memory_space<vmem>>, %arg9: memref<1x256xf32, #tpu.memory_space<vmem>>, %arg10: memref<1x256xf32, #tpu.memory_space<vmem>>, %arg11: memref<256x64xf32, #tpu.memory_space<vmem>>, %arg12: memref<256x64xf32, #tpu.memory_space<vmem>>, %arg13: memref<1x64xf32, #tpu.memory_space<vmem>>, %arg14: memref<1x64xf32, #tpu.memory_space<vmem>>, %arg15: memref<64x256xf32, #tpu.memory_space<vmem>>, %arg16: memref<1x256xf32, #tpu.memory_space<vmem>>, %arg17: memref<2000x128xf32, #tpu.memory_space<vmem>>, %arg18: memref<2000x128xf32, #tpu.memory_space<vmem>>) attributes {dimension_semantics = [#tpu.dimension_semantics<arbitrary>], iteration_bounds = array<i64: 5>, scalar_prefetch = 0 : i64, scratch_operands = 0 : i64, tpu.core_type = #tpu.core_type<tc>, window_params = [{transform_indices = @transform_0, window_bounds = array<i64: 2000, 256>}, {transform_indices = @transform_1, window_bounds = array<i64: 2000, 128>}, {transform_indices = @transform_2, window_bounds = array<i64: 2000, 128>}, {transform_indices = @transform_3, window_bounds = array<i64: 2000, 64>}, {pipeline_mode = #tpu.pipeline_mode<synchronous>, transform_indices = @transform_4, window_bounds = array<i64: 256, 256>}, {pipeline_mode = #tpu.pipeline_mode<synchronous>, transform_indices = @transform_5, window_bounds = array<i64: 128, 256>}, {pipeline_mode = #tpu.pipeline_mode<synchronous>, transform_indices = @transform_6, window_bounds = array<i64: 128, 256>}, {pipeline_mode = #tpu.pipeline_mode<synchronous>, transform_indices = @transform_7, window_bounds = array<i64: 1, 256>}, {pipeline_mode = #tpu.pipeline_mode<synchronous>, transform_indices = @transform_8, window_bounds = array<i64: 1, 256>}, {pipeline_mode = #tpu.pipeline_mode<synchronous>, transform_indices = @transform_9, window_bounds = array<i64: 1, 256>}, {pipeline_mode = #tpu.pipeline_mode<synchronous>, transform_indices = @transform_10, window_bounds = array<i64: 256, 64>}, {pipeline_mode = #tpu.pipeline_mode<synchronous>, transform_indices = @transform_11, window_bounds = array<i64: 256, 64>}, {pipeline_mode = #tpu.pipeline_mode<synchronous>, transform_indices = @transform_12, window_bounds = array<i64: 1, 64>}, {pipeline_mode = #tpu.pipeline_mode<synchronous>, transform_indices = @transform_13, window_bounds = array<i64: 1, 64>}, {pipeline_mode = #tpu.pipeline_mode<synchronous>, transform_indices = @transform_14, window_bounds = array<i64: 64, 256>}, {pipeline_mode = #tpu.pipeline_mode<synchronous>, transform_indices = @transform_15, window_bounds = array<i64: 1, 256>}, {transform_indices = @transform_16, window_bounds = array<i64: 2000, 128>}, {transform_indices = @transform_17, window_bounds = array<i64: 2000, 128>}]} {
    %get3A = arith.constant 0 : index
    %get3A_0 = arith.constant 0 : index
    %get3A_1 = vector.load %arg1[%get3A, %get3A_0] : memref<2000x256xf32, #tpu.memory_space<vmem>>, vector<2000x256xf32>
    %get3A_2 = arith.constant 0 : index
    %get3A_3 = arith.constant 0 : index
    %get3A_4 = vector.load %arg5[%get3A_2, %get3A_3] : memref<256x256xf32, #tpu.memory_space<vmem>>, vector<256x256xf32>
    %dot_general3A = arith.constant dense<0.000000e+00> : vector<2000x256xf32>
    %dot_general3A_5 = tpu.matmul %get3A_1, %get3A_4, %dot_general3A {dimension_numbers = #tpu.dot_dimension_numbers<[1], [0], [0], [1], [0, 0, 1, 1], [], []>, transpose_lhs_hint = false} : vector<2000x256xf32>, vector<256x256xf32>, vector<2000x256xf32> -> vector<2000x256xf32>
    %get3A_6 = arith.constant 0 : index
    %get3A_7 = arith.constant 0 : index
    %get3A_8 = vector.load %arg2[%get3A_6, %get3A_7] : memref<2000x128xf32, #tpu.memory_space<vmem>>, vector<2000x128xf32>
    %get3A_9 = arith.constant 0 : index
    %get3A_10 = arith.constant 0 : index
    %get3A_11 = vector.load %arg6[%get3A_9, %get3A_10] : memref<128x256xf32, #tpu.memory_space<vmem>>, vector<128x256xf32>
    %dot_general3A_12 = arith.constant dense<0.000000e+00> : vector<2000x256xf32>
    %dot_general3A_13 = tpu.matmul %get3A_8, %get3A_11, %dot_general3A_12 {dimension_numbers = #tpu.dot_dimension_numbers<[1], [0], [0], [1], [0, 0, 1, 1], [], []>, transpose_lhs_hint = false} : vector<2000x128xf32>, vector<128x256xf32>, vector<2000x256xf32> -> vector<2000x256xf32>
    %add3A = arith.addf %dot_general3A_5, %dot_general3A_13 : vector<2000x256xf32>
    %get3A_14 = arith.constant 0 : index
    %get3A_15 = arith.constant 0 : index
    %get3A_16 = vector.load %arg3[%get3A_14, %get3A_15] : memref<2000x128xf32, #tpu.memory_space<vmem>>, vector<2000x128xf32>
    %get3A_17 = arith.constant 0 : index
    %get3A_18 = arith.constant 0 : index
    %get3A_19 = vector.load %arg7[%get3A_17, %get3A_18] : memref<128x256xf32, #tpu.memory_space<vmem>>, vector<128x256xf32>
    %dot_general3A_20 = arith.constant dense<0.000000e+00> : vector<2000x256xf32>
    %dot_general3A_21 = tpu.matmul %get3A_16, %get3A_19, %dot_general3A_20 {dimension_numbers = #tpu.dot_dimension_numbers<[1], [0], [0], [1], [0, 0, 1, 1], [], []>, transpose_lhs_hint = false} : vector<2000x128xf32>, vector<128x256xf32>, vector<2000x256xf32> -> vector<2000x256xf32>
    %add3A_22 = arith.addf %add3A, %dot_general3A_21 : vector<2000x256xf32>
    %get3A_23 = arith.constant 0 : index
    %get3A_24 = arith.constant 0 : index
    %get3A_25 = vector.load %arg8[%get3A_23, %get3A_24] : memref<1x256xf32, #tpu.memory_space<vmem>>, vector<1x256xf32>
    %add3A_26 = vector.broadcast %get3A_25 : vector<1x256xf32> to vector<2000x256xf32>
    %add3A_27 = arith.addf %add3A_22, %add3A_26 : vector<2000x256xf32>
    %get3A_28 = arith.constant 0 : index
    %get3A_29 = arith.constant 0 : index
    %get3A_30 = vector.load %arg9[%get3A_28, %get3A_29] : memref<1x256xf32, #tpu.memory_space<vmem>>, vector<1x256xf32>
    %get3A_31 = arith.constant 0 : index
    %get3A_32 = arith.constant 0 : index
    %get3A_33 = vector.load %arg10[%get3A_31, %get3A_32] : memref<1x256xf32, #tpu.memory_space<vmem>>, vector<1x256xf32>
    %iota3A = tpu.iota {dimensions = array<i32: 0>} : vector<256x8xi32>
    %jit3A = arith.constant 32 : i32
    %div3A = vector.broadcast %jit3A : i32 to vector<256x8xi32>
    %div3A_34 = arith.divsi %iota3A, %div3A : vector<256x8xi32>
    %sign3A = arith.constant 0 : i32
    %sign3A_35 = vector.broadcast %sign3A : i32 to vector<256x8xi32>
    %sign3A_36 = arith.cmpi sgt, %iota3A, %sign3A_35 : vector<256x8xi32>
    %sign3A_37 = arith.extui %sign3A_36 : vector<256x8xi1> to vector<256x8xi32>
    %sign3A_38 = arith.constant 0 : i32
    %sign3A_39 = vector.broadcast %sign3A_38 : i32 to vector<256x8xi32>
    %sign3A_40 = arith.cmpi slt, %iota3A, %sign3A_39 : vector<256x8xi32>
    %sign3A_41 = arith.extui %sign3A_40 : vector<256x8xi1> to vector<256x8xi32>
    %sign3A_42 = arith.subi %sign3A_37, %sign3A_41 : vector<256x8xi32>
    %sign3A_43 = arith.constant 0 : i32
    %sign3A_44 = arith.cmpi sgt, %jit3A, %sign3A_43 : i32
    %sign3A_45 = arith.extui %sign3A_44 : i1 to i32
    %sign3A_46 = arith.constant 0 : i32
    %sign3A_47 = arith.cmpi slt, %jit3A, %sign3A_46 : i32
    %sign3A_48 = arith.extui %sign3A_47 : i1 to i32
    %sign3A_49 = arith.subi %sign3A_45, %sign3A_48 : i32
    %ne3A = vector.broadcast %sign3A_49 : i32 to vector<256x8xi32>
    %ne3A_50 = arith.cmpi ne, %sign3A_42, %ne3A : vector<256x8xi32>
    %rem3A = vector.broadcast %jit3A : i32 to vector<256x8xi32>
    %rem3A_51 = arith.remsi %iota3A, %rem3A : vector<256x8xi32>
    %ne3A_52 = arith.constant 0 : i32
    %ne3A_53 = vector.broadcast %ne3A_52 : i32 to vector<256x8xi32>
    %ne3A_54 = arith.cmpi ne, %rem3A_51, %ne3A_53 : vector<256x8xi32>
    %and3A = arith.andi %ne3A_50, %ne3A_54 : vector<256x8xi1>
    %sub3A = arith.constant 1 : i32
    %sub3A_55 = vector.broadcast %sub3A : i32 to vector<256x8xi32>
    %sub3A_56 = arith.subi %div3A_34, %sub3A_55 : vector<256x8xi32>
    %select_n3A = arith.select %and3A, %sub3A_56, %div3A_34 : vector<256x8xi1>, vector<256x8xi32>
    %iota3A_57 = tpu.iota {dimensions = array<i32: 1>} : vector<256x8xi32>
    %eq3A = arith.cmpi eq, %select_n3A, %iota3A_57 : vector<256x8xi32>
    %convert_element_type3A = arith.extui %eq3A : vector<256x8xi1> to vector<256x8xi32>
    %convert_element_type3A_58 = arith.sitofp %convert_element_type3A : vector<256x8xi32> to vector<256x8xf32>
    %iota3A_59 = tpu.iota {dimensions = array<i32: 0>} : vector<8x256xi32>
    %iota3A_60 = tpu.iota {dimensions = array<i32: 1>} : vector<8x256xi32>
    %jit3A_61 = arith.constant 32 : i32
    %div3A_62 = vector.broadcast %jit3A_61 : i32 to vector<8x256xi32>
    %div3A_63 = arith.divsi %iota3A_60, %div3A_62 : vector<8x256xi32>
    %sign3A_64 = arith.constant 0 : i32
    %sign3A_65 = vector.broadcast %sign3A_64 : i32 to vector<8x256xi32>
    %sign3A_66 = arith.cmpi sgt, %iota3A_60, %sign3A_65 : vector<8x256xi32>
    %sign3A_67 = arith.extui %sign3A_66 : vector<8x256xi1> to vector<8x256xi32>
    %sign3A_68 = arith.constant 0 : i32
    %sign3A_69 = vector.broadcast %sign3A_68 : i32 to vector<8x256xi32>
    %sign3A_70 = arith.cmpi slt, %iota3A_60, %sign3A_69 : vector<8x256xi32>
    %sign3A_71 = arith.extui %sign3A_70 : vector<8x256xi1> to vector<8x256xi32>
    %sign3A_72 = arith.subi %sign3A_67, %sign3A_71 : vector<8x256xi32>
    %sign3A_73 = arith.constant 0 : i32
    %sign3A_74 = arith.cmpi sgt, %jit3A_61, %sign3A_73 : i32
    %sign3A_75 = arith.extui %sign3A_74 : i1 to i32
    %sign3A_76 = arith.constant 0 : i32
    %sign3A_77 = arith.cmpi slt, %jit3A_61, %sign3A_76 : i32
    %sign3A_78 = arith.extui %sign3A_77 : i1 to i32
    %sign3A_79 = arith.subi %sign3A_75, %sign3A_78 : i32
    %ne3A_80 = vector.broadcast %sign3A_79 : i32 to vector<8x256xi32>
    %ne3A_81 = arith.cmpi ne, %sign3A_72, %ne3A_80 : vector<8x256xi32>
    %rem3A_82 = vector.broadcast %jit3A_61 : i32 to vector<8x256xi32>
    %rem3A_83 = arith.remsi %iota3A_60, %rem3A_82 : vector<8x256xi32>
    %ne3A_84 = arith.constant 0 : i32
    %ne3A_85 = vector.broadcast %ne3A_84 : i32 to vector<8x256xi32>
    %ne3A_86 = arith.cmpi ne, %rem3A_83, %ne3A_85 : vector<8x256xi32>
    %and3A_87 = arith.andi %ne3A_81, %ne3A_86 : vector<8x256xi1>
    %sub3A_88 = arith.constant 1 : i32
    %sub3A_89 = vector.broadcast %sub3A_88 : i32 to vector<8x256xi32>
    %sub3A_90 = arith.subi %div3A_63, %sub3A_89 : vector<8x256xi32>
    %select_n3A_91 = arith.select %and3A_87, %sub3A_90, %div3A_63 : vector<8x256xi1>, vector<8x256xi32>
    %eq3A_92 = arith.cmpi eq, %iota3A_59, %select_n3A_91 : vector<8x256xi32>
    %convert_element_type3A_93 = arith.extui %eq3A_92 : vector<8x256xi1> to vector<8x256xi32>
    %convert_element_type3A_94 = arith.sitofp %convert_element_type3A_93 : vector<8x256xi32> to vector<8x256xf32>
    %dot_general3A_95 = arith.constant dense<0.000000e+00> : vector<2000x8xf32>
    %dot_general3A_96 = tpu.matmul %add3A_27, %convert_element_type3A_58, %dot_general3A_95 {dimension_numbers = #tpu.dot_dimension_numbers<[1], [0], [0], [1], [0, 0, 1, 1], [], []>, transpose_lhs_hint = false} : vector<2000x256xf32>, vector<256x8xf32>, vector<2000x8xf32> -> vector<2000x8xf32>
    %mul3A = arith.mulf %add3A_27, %add3A_27 : vector<2000x256xf32>
    %dot_general3A_97 = arith.constant dense<0.000000e+00> : vector<2000x8xf32>
    %dot_general3A_98 = tpu.matmul %mul3A, %convert_element_type3A_58, %dot_general3A_97 {dimension_numbers = #tpu.dot_dimension_numbers<[1], [0], [0], [1], [0, 0, 1, 1], [], []>, transpose_lhs_hint = false} : vector<2000x256xf32>, vector<256x8xf32>, vector<2000x8xf32> -> vector<2000x8xf32>
    %mul3A_99 = arith.constant 3.125000e-02 : f32
    %mul3A_100 = vector.broadcast %mul3A_99 : f32 to vector<2000x8xf32>
    %mul3A_101 = arith.mulf %dot_general3A_96, %mul3A_100 : vector<2000x8xf32>
    %mul3A_102 = arith.constant 3.125000e-02 : f32
    %mul3A_103 = vector.broadcast %mul3A_102 : f32 to vector<2000x8xf32>
    %mul3A_104 = arith.mulf %dot_general3A_98, %mul3A_103 : vector<2000x8xf32>
    %mul3A_105 = arith.mulf %mul3A_101, %mul3A_101 : vector<2000x8xf32>
    %sub3A_106 = arith.subf %mul3A_104, %mul3A_105 : vector<2000x8xf32>
    %add3A_107 = arith.constant 9.99999974E-6 : f32
    %add3A_108 = vector.broadcast %add3A_107 : f32 to vector<2000x8xf32>
    %add3A_109 = arith.addf %sub3A_106, %add3A_108 : vector<2000x8xf32>
    %rsqrt3A = math.rsqrt %add3A_109 : vector<2000x8xf32>
    %dot_general3A_110 = arith.constant dense<0.000000e+00> : vector<2000x256xf32>
    %dot_general3A_111 = tpu.matmul %rsqrt3A, %convert_element_type3A_94, %dot_general3A_110 {dimension_numbers = #tpu.dot_dimension_numbers<[1], [0], [0], [1], [0, 0, 1, 1], [], []>, transpose_lhs_hint = false} : vector<2000x8xf32>, vector<8x256xf32>, vector<2000x256xf32> -> vector<2000x256xf32>
    %mul3A_112 = arith.mulf %mul3A_101, %rsqrt3A : vector<2000x8xf32>
    %dot_general3A_113 = arith.constant dense<0.000000e+00> : vector<2000x256xf32>
    %dot_general3A_114 = tpu.matmul %mul3A_112, %convert_element_type3A_94, %dot_general3A_113 {dimension_numbers = #tpu.dot_dimension_numbers<[1], [0], [0], [1], [0, 0, 1, 1], [], []>, transpose_lhs_hint = false} : vector<2000x8xf32>, vector<8x256xf32>, vector<2000x256xf32> -> vector<2000x256xf32>
    %mul3A_115 = arith.mulf %add3A_27, %dot_general3A_111 : vector<2000x256xf32>
    %sub3A_116 = arith.subf %mul3A_115, %dot_general3A_114 : vector<2000x256xf32>
    %mul3A_117 = vector.broadcast %get3A_30 : vector<1x256xf32> to vector<2000x256xf32>
    %mul3A_118 = arith.mulf %sub3A_116, %mul3A_117 : vector<2000x256xf32>
    %add3A_119 = vector.broadcast %get3A_33 : vector<1x256xf32> to vector<2000x256xf32>
    %add3A_120 = arith.addf %mul3A_118, %add3A_119 : vector<2000x256xf32>
    %integer_pow3A = arith.mulf %add3A_120, %add3A_120 : vector<2000x256xf32>
    %integer_pow3A_121 = arith.mulf %add3A_120, %integer_pow3A : vector<2000x256xf32>
    %mul3A_122 = arith.constant 4.471500e-02 : f32
    %mul3A_123 = vector.broadcast %mul3A_122 : f32 to vector<2000x256xf32>
    %mul3A_124 = arith.mulf %mul3A_123, %integer_pow3A_121 : vector<2000x256xf32>
    %add3A_125 = arith.addf %add3A_120, %mul3A_124 : vector<2000x256xf32>
    %mul3A_126 = arith.constant 0.797884583 : f32
    %mul3A_127 = vector.broadcast %mul3A_126 : f32 to vector<2000x256xf32>
    %mul3A_128 = arith.mulf %mul3A_127, %add3A_125 : vector<2000x256xf32>
    %tanh3A = math.tanh %mul3A_128 : vector<2000x256xf32>
    %add3A_129 = arith.constant 1.000000e+00 : f32
    %add3A_130 = vector.broadcast %add3A_129 : f32 to vector<2000x256xf32>
    %add3A_131 = arith.addf %add3A_130, %tanh3A : vector<2000x256xf32>
    %mul3A_132 = arith.constant 5.000000e-01 : f32
    %mul3A_133 = vector.broadcast %mul3A_132 : f32 to vector<2000x256xf32>
    %mul3A_134 = arith.mulf %mul3A_133, %add3A_131 : vector<2000x256xf32>
    %mul3A_135 = arith.mulf %add3A_120, %mul3A_134 : vector<2000x256xf32>
    %get3A_136 = arith.constant 0 : index
    %get3A_137 = arith.constant 0 : index
    %get3A_138 = vector.load %arg11[%get3A_136, %get3A_137] : memref<256x64xf32, #tpu.memory_space<vmem>>, vector<256x64xf32>
    %dot_general3A_139 = arith.constant dense<0.000000e+00> : vector<2000x64xf32>
    %dot_general3A_140 = tpu.matmul %mul3A_135, %get3A_138, %dot_general3A_139 {dimension_numbers = #tpu.dot_dimension_numbers<[1], [0], [0], [1], [0, 0, 1, 1], [], []>, transpose_lhs_hint = false} : vector<2000x256xf32>, vector<256x64xf32>, vector<2000x64xf32> -> vector<2000x64xf32>
    %get3A_141 = arith.constant 0 : index
    %get3A_142 = arith.constant 0 : index
    %get3A_143 = vector.load %arg13[%get3A_141, %get3A_142] : memref<1x64xf32, #tpu.memory_space<vmem>>, vector<1x64xf32>
    %add3A_144 = vector.broadcast %get3A_143 : vector<1x64xf32> to vector<2000x64xf32>
    %add3A_145 = arith.addf %dot_general3A_140, %add3A_144 : vector<2000x64xf32>
    %get3A_146 = arith.constant 0 : index
    %get3A_147 = arith.constant 0 : index
    %get3A_148 = vector.load %arg12[%get3A_146, %get3A_147] : memref<256x64xf32, #tpu.memory_space<vmem>>, vector<256x64xf32>
    %dot_general3A_149 = arith.constant dense<0.000000e+00> : vector<2000x64xf32>
    %dot_general3A_150 = tpu.matmul %mul3A_135, %get3A_148, %dot_general3A_149 {dimension_numbers = #tpu.dot_dimension_numbers<[1], [0], [0], [1], [0, 0, 1, 1], [], []>, transpose_lhs_hint = false} : vector<2000x256xf32>, vector<256x64xf32>, vector<2000x64xf32> -> vector<2000x64xf32>
    %get3A_151 = arith.constant 0 : index
    %get3A_152 = arith.constant 0 : index
    %get3A_153 = vector.load %arg14[%get3A_151, %get3A_152] : memref<1x64xf32, #tpu.memory_space<vmem>>, vector<1x64xf32>
    %add3A_154 = vector.broadcast %get3A_153 : vector<1x64xf32> to vector<2000x64xf32>
    %add3A_155 = arith.addf %dot_general3A_150, %add3A_154 : vector<2000x64xf32>
    %jit3A_156 = arith.constant -3.000000e+01 : f32
    %jit3A_157 = arith.constant 2.000000e+01 : f32
    %max3A = vector.broadcast %jit3A_156 : f32 to vector<2000x64xf32>
    %max3A_158 = arith.maximumf %max3A, %add3A_155 : vector<2000x64xf32>
    %min3A = vector.broadcast %jit3A_157 : f32 to vector<2000x64xf32>
    %min3A_159 = arith.minimumf %min3A, %max3A_158 : vector<2000x64xf32>
    %mul3A_160 = arith.constant 5.000000e-01 : f32
    %mul3A_161 = vector.broadcast %mul3A_160 : f32 to vector<2000x64xf32>
    %mul3A_162 = arith.mulf %mul3A_161, %min3A_159 : vector<2000x64xf32>
    %exp3A = math.exp %mul3A_162 : vector<2000x64xf32>
    %get3A_163 = arith.constant 0 : index
    %get3A_164 = arith.constant 0 : index
    %get3A_165 = vector.load %arg4[%get3A_163, %get3A_164] : memref<2000x64xf32, #tpu.memory_space<vmem>>, vector<2000x64xf32>
    %mul3A_166 = arith.mulf %exp3A, %get3A_165 : vector<2000x64xf32>
    %add3A_167 = arith.addf %add3A_145, %mul3A_166 : vector<2000x64xf32>
    %get3A_168 = arith.constant 0 : index
    %get3A_169 = arith.constant 0 : index
    %get3A_170 = vector.load %arg15[%get3A_168, %get3A_169] : memref<64x256xf32, #tpu.memory_space<vmem>>, vector<64x256xf32>
    %dot_general3A_171 = arith.constant dense<0.000000e+00> : vector<2000x256xf32>
    %dot_general3A_172 = tpu.matmul %add3A_167, %get3A_170, %dot_general3A_171 {dimension_numbers = #tpu.dot_dimension_numbers<[1], [0], [0], [1], [0, 0, 1, 1], [], []>, transpose_lhs_hint = false} : vector<2000x64xf32>, vector<64x256xf32>, vector<2000x256xf32> -> vector<2000x256xf32>
    %get3A_173 = arith.constant 0 : index
    %get3A_174 = arith.constant 0 : index
    %get3A_175 = vector.load %arg16[%get3A_173, %get3A_174] : memref<1x256xf32, #tpu.memory_space<vmem>>, vector<1x256xf32>
    %add3A_176 = vector.broadcast %get3A_175 : vector<1x256xf32> to vector<2000x256xf32>
    %add3A_177 = arith.addf %dot_general3A_172, %add3A_176 : vector<2000x256xf32>
    %integer_pow3A_178 = arith.mulf %add3A_177, %add3A_177 : vector<2000x256xf32>
    %integer_pow3A_179 = arith.mulf %add3A_177, %integer_pow3A_178 : vector<2000x256xf32>
    %mul3A_180 = arith.constant 4.471500e-02 : f32
    %mul3A_181 = vector.broadcast %mul3A_180 : f32 to vector<2000x256xf32>
    %mul3A_182 = arith.mulf %mul3A_181, %integer_pow3A_179 : vector<2000x256xf32>
    %add3A_183 = arith.addf %add3A_177, %mul3A_182 : vector<2000x256xf32>
    %mul3A_184 = arith.constant 0.797884583 : f32
    %mul3A_185 = vector.broadcast %mul3A_184 : f32 to vector<2000x256xf32>
    %mul3A_186 = arith.mulf %mul3A_185, %add3A_183 : vector<2000x256xf32>
    %tanh3A_187 = math.tanh %mul3A_186 : vector<2000x256xf32>
    %add3A_188 = arith.constant 1.000000e+00 : f32
    %add3A_189 = vector.broadcast %add3A_188 : f32 to vector<2000x256xf32>
    %add3A_190 = arith.addf %add3A_189, %tanh3A_187 : vector<2000x256xf32>
    %mul3A_191 = arith.constant 5.000000e-01 : f32
    %mul3A_192 = vector.broadcast %mul3A_191 : f32 to vector<2000x256xf32>
    %mul3A_193 = arith.mulf %mul3A_192, %add3A_190 : vector<2000x256xf32>
    %mul3A_194 = arith.mulf %add3A_177, %mul3A_193 : vector<2000x256xf32>
    %slice3A = vector.extract_strided_slice %mul3A_194 {offsets = [0, 0], sizes = [2000, 128], strides = [1, 1]} : vector<2000x256xf32> to vector<2000x128xf32>
    %swap3A = arith.constant 0 : index
    %swap3A_195 = arith.constant 0 : index
    %swap3A_196 = vector.load %arg17[%swap3A, %swap3A_195] : memref<2000x128xf32, #tpu.memory_space<vmem>>, vector<2000x128xf32>
    tpu.vector_store %arg17[%swap3A, %swap3A_195], %slice3A {strides = array<i32>} : memref<2000x128xf32, #tpu.memory_space<vmem>>, vector<2000x128xf32>,
    %slice3A_197 = vector.extract_strided_slice %mul3A_194 {offsets = [0, 128], sizes = [2000, 128], strides = [1, 1]} : vector<2000x256xf32> to vector<2000x128xf32>
    %swap3A_198 = arith.constant 0 : index
    %swap3A_199 = arith.constant 0 : index
    %swap3A_200 = vector.load %arg18[%swap3A_198, %swap3A_199] : memref<2000x128xf32, #tpu.memory_space<vmem>>, vector<2000x128xf32>
    tpu.vector_store %arg18[%swap3A_198, %swap3A_199], %slice3A_197 {strides = array<i32>} : memref<2000x128xf32, #tpu.memory_space<vmem>>, vector<2000x128xf32>,
    return
  }
  func.func @transform_0(%arg0: i32) -> (i32, i32) {
    %c0_i32 = arith.constant 0 : i32
    %c0_i32_0 = arith.constant 0 : i32
    return %arg0, %c0_i32 : i32, i32
  }
  func.func @transform_1(%arg0: i32) -> (i32, i32) {
    %c0_i32 = arith.constant 0 : i32
    %c0_i32_0 = arith.constant 0 : i32
    return %arg0, %c0_i32 : i32, i32
  }
  func.func @transform_2(%arg0: i32) -> (i32, i32) {
    %c0_i32 = arith.constant 0 : i32
    %c0_i32_0 = arith.constant 0 : i32
    return %arg0, %c0_i32 : i32, i32
  }
  func.func @transform_3(%arg0: i32) -> (i32, i32) {
    %c0_i32 = arith.constant 0 : i32
    %c0_i32_0 = arith.constant 0 : i32
    return %arg0, %c0_i32 : i32, i32
  }
  func.func @transform_4(%arg0: i32) -> (i32, i32) {
    %c0_i32 = arith.constant 0 : i32
    %c0_i32_0 = arith.constant 0 : i32
    %c0_i32_1 = arith.constant 0 : i32
    return %c0_i32, %c0_i32_0 : i32, i32
  }
  func.func @transform_5(%arg0: i32) -> (i32, i32) {
    %c0_i32 = arith.constant 0 : i32
    %c0_i32_0 = arith.constant 0 : i32
    %c0_i32_1 = arith.constant 0 : i32
    return %c0_i32, %c0_i32_0 : i32, i32
  }
  func.func @transform_6(%arg0: i32) -> (i32, i32) {
    %c0_i32 = arith.constant 0 : i32
    %c0_i32_0 = arith.constant 0 : i32
    %c0_i32_1 = arith.constant 0 : i32
    return %c0_i32, %c0_i32_0 : i32, i32
  }
  func.func @transform_7(%arg0: i32) -> (i32, i32) {
    %c0_i32 = arith.constant 0 : i32
    %c0_i32_0 = arith.constant 0 : i32
    %c0_i32_1 = arith.constant 0 : i32
    return %c0_i32, %c0_i32_0 : i32, i32
  }
  func.func @transform_8(%arg0: i32) -> (i32, i32) {
    %c0_i32 = arith.constant 0 : i32
    %c0_i32_0 = arith.constant 0 : i32
    %c0_i32_1 = arith.constant 0 : i32
    return %c0_i32, %c0_i32_0 : i32, i32
  }
  func.func @transform_9(%arg0: i32) -> (i32, i32) {
    %c0_i32 = arith.constant 0 : i32
    %c0_i32_0 = arith.constant 0 : i32
    %c0_i32_1 = arith.constant 0 : i32
    return %c0_i32, %c0_i32_0 : i32, i32
  }
  func.func @transform_10(%arg0: i32) -> (i32, i32) {
    %c0_i32 = arith.constant 0 : i32
    %c0_i32_0 = arith.constant 0 : i32
    %c0_i32_1 = arith.constant 0 : i32
    return %c0_i32, %c0_i32_0 : i32, i32
  }
  func.func @transform_11(%arg0: i32) -> (i32, i32) {
    %c0_i32 = arith.constant 0 : i32
    %c0_i32_0 = arith.constant 0 : i32
    %c0_i32_1 = arith.constant 0 : i32
    return %c0_i32, %c0_i32_0 : i32, i32
  }
  func.func @transform_12(%arg0: i32) -> (i32, i32) {
    %c0_i32 = arith.constant 0 : i32
    %c0_i32_0 = arith.constant 0 : i32
    %c0_i32_1 = arith.constant 0 : i32
    return %c0_i32, %c0_i32_0 : i32, i32
  }
  func.func @transform_13(%arg0: i32) -> (i32, i32) {
    %c0_i32 = arith.constant 0 : i32
    %c0_i32_0 = arith.constant 0 : i32
    %c0_i32_1 = arith.constant 0 : i32
    return %c0_i32, %c0_i32_0 : i32, i32
  }
  func.func @transform_14(%arg0: i32) -> (i32, i32) {
    %c0_i32 = arith.constant 0 : i32
    %c0_i32_0 = arith.constant 0 : i32
    %c0_i32_1 = arith.constant 0 : i32
    return %c0_i32, %c0_i32_0 : i32, i32
  }
  func.func @transform_15(%arg0: i32) -> (i32, i32) {
    %c0_i32 = arith.constant 0 : i32
    %c0_i32_0 = arith.constant 0 : i32
    %c0_i32_1 = arith.constant 0 : i32
    return %c0_i32, %c0_i32_0 : i32, i32
  }
  func.func @transform_16(%arg0: i32) -> (i32, i32) {
    %c0_i32 = arith.constant 0 : i32
    %c0_i32_0 = arith.constant 0 : i32
    return %arg0, %c0_i32 : i32, i32
  }
  func.func @transform_17(%arg0: i32) -> (i32, i32) {
    %c0_i32 = arith.constant 0 : i32
    %c0_i32_0 = arith.constant 0 : i32
    return %arg0, %c0_i32 : i32, i32
  }
}

module attributes {stable_mosaic.version = 14 : i64} {
  func.func @_stage_b_body(%arg0: i32, %arg1: memref<2000x128xf32, #tpu.memory_space<vmem>>, %arg2: memref<2000x128xf32, #tpu.memory_space<vmem>>, %arg3: memref<2000x128xf32, #tpu.memory_space<vmem>>, %arg4: memref<2000x128xf32, #tpu.memory_space<vmem>>, %arg5: memref<128x256xf32, #tpu.memory_space<vmem>>, %arg6: memref<128x256xf32, #tpu.memory_space<vmem>>, %arg7: memref<128x256xf32, #tpu.memory_space<vmem>>, %arg8: memref<128x256xf32, #tpu.memory_space<vmem>>, %arg9: memref<1x256xf32, #tpu.memory_space<vmem>>, %arg10: memref<1x256xf32, #tpu.memory_space<vmem>>, %arg11: memref<1x256xf32, #tpu.memory_space<vmem>>, %arg12: memref<256x4xf32, #tpu.memory_space<vmem>>, %arg13: memref<1x4xf32, #tpu.memory_space<vmem>>, %arg14: memref<2000x4xf32, #tpu.memory_space<vmem>>) attributes {dimension_semantics = [#tpu.dimension_semantics<arbitrary>], iteration_bounds = array<i64: 5>, scalar_prefetch = 0 : i64, scratch_operands = 0 : i64, tpu.core_type = #tpu.core_type<tc>, window_params = [{transform_indices = @transform_0, window_bounds = array<i64: 2000, 128>}, {transform_indices = @transform_1, window_bounds = array<i64: 2000, 128>}, {transform_indices = @transform_2, window_bounds = array<i64: 2000, 128>}, {transform_indices = @transform_3, window_bounds = array<i64: 2000, 128>}, {pipeline_mode = #tpu.pipeline_mode<synchronous>, transform_indices = @transform_4, window_bounds = array<i64: 128, 256>}, {pipeline_mode = #tpu.pipeline_mode<synchronous>, transform_indices = @transform_5, window_bounds = array<i64: 128, 256>}, {pipeline_mode = #tpu.pipeline_mode<synchronous>, transform_indices = @transform_6, window_bounds = array<i64: 128, 256>}, {pipeline_mode = #tpu.pipeline_mode<synchronous>, transform_indices = @transform_7, window_bounds = array<i64: 128, 256>}, {pipeline_mode = #tpu.pipeline_mode<synchronous>, transform_indices = @transform_8, window_bounds = array<i64: 1, 256>}, {pipeline_mode = #tpu.pipeline_mode<synchronous>, transform_indices = @transform_9, window_bounds = array<i64: 1, 256>}, {pipeline_mode = #tpu.pipeline_mode<synchronous>, transform_indices = @transform_10, window_bounds = array<i64: 1, 256>}, {pipeline_mode = #tpu.pipeline_mode<synchronous>, transform_indices = @transform_11, window_bounds = array<i64: 256, 4>}, {pipeline_mode = #tpu.pipeline_mode<synchronous>, transform_indices = @transform_12, window_bounds = array<i64: 1, 4>}, {transform_indices = @transform_13, window_bounds = array<i64: 2000, 4>}]} {
    %get3A = arith.constant 0 : index
    %get3A_0 = arith.constant 0 : index
    %get3A_1 = vector.load %arg1[%get3A, %get3A_0] : memref<2000x128xf32, #tpu.memory_space<vmem>>, vector<2000x128xf32>
    %get3A_2 = arith.constant 0 : index
    %get3A_3 = arith.constant 0 : index
    %get3A_4 = vector.load %arg5[%get3A_2, %get3A_3] : memref<128x256xf32, #tpu.memory_space<vmem>>, vector<128x256xf32>
    %dot_general3A = arith.constant dense<0.000000e+00> : vector<2000x256xf32>
    %dot_general3A_5 = tpu.matmul %get3A_1, %get3A_4, %dot_general3A {dimension_numbers = #tpu.dot_dimension_numbers<[1], [0], [0], [1], [0, 0, 1, 1], [], []>, transpose_lhs_hint = false} : vector<2000x128xf32>, vector<128x256xf32>, vector<2000x256xf32> -> vector<2000x256xf32>
    %get3A_6 = arith.constant 0 : index
    %get3A_7 = arith.constant 0 : index
    %get3A_8 = vector.load %arg2[%get3A_6, %get3A_7] : memref<2000x128xf32, #tpu.memory_space<vmem>>, vector<2000x128xf32>
    %get3A_9 = arith.constant 0 : index
    %get3A_10 = arith.constant 0 : index
    %get3A_11 = vector.load %arg6[%get3A_9, %get3A_10] : memref<128x256xf32, #tpu.memory_space<vmem>>, vector<128x256xf32>
    %dot_general3A_12 = arith.constant dense<0.000000e+00> : vector<2000x256xf32>
    %dot_general3A_13 = tpu.matmul %get3A_8, %get3A_11, %dot_general3A_12 {dimension_numbers = #tpu.dot_dimension_numbers<[1], [0], [0], [1], [0, 0, 1, 1], [], []>, transpose_lhs_hint = false} : vector<2000x128xf32>, vector<128x256xf32>, vector<2000x256xf32> -> vector<2000x256xf32>
    %add3A = arith.addf %dot_general3A_5, %dot_general3A_13 : vector<2000x256xf32>
    %get3A_14 = arith.constant 0 : index
    %get3A_15 = arith.constant 0 : index
    %get3A_16 = vector.load %arg3[%get3A_14, %get3A_15] : memref<2000x128xf32, #tpu.memory_space<vmem>>, vector<2000x128xf32>
    %get3A_17 = arith.constant 0 : index
    %get3A_18 = arith.constant 0 : index
    %get3A_19 = vector.load %arg7[%get3A_17, %get3A_18] : memref<128x256xf32, #tpu.memory_space<vmem>>, vector<128x256xf32>
    %dot_general3A_20 = arith.constant dense<0.000000e+00> : vector<2000x256xf32>
    %dot_general3A_21 = tpu.matmul %get3A_16, %get3A_19, %dot_general3A_20 {dimension_numbers = #tpu.dot_dimension_numbers<[1], [0], [0], [1], [0, 0, 1, 1], [], []>, transpose_lhs_hint = false} : vector<2000x128xf32>, vector<128x256xf32>, vector<2000x256xf32> -> vector<2000x256xf32>
    %add3A_22 = arith.addf %add3A, %dot_general3A_21 : vector<2000x256xf32>
    %get3A_23 = arith.constant 0 : index
    %get3A_24 = arith.constant 0 : index
    %get3A_25 = vector.load %arg4[%get3A_23, %get3A_24] : memref<2000x128xf32, #tpu.memory_space<vmem>>, vector<2000x128xf32>
    %get3A_26 = arith.constant 0 : index
    %get3A_27 = arith.constant 0 : index
    %get3A_28 = vector.load %arg8[%get3A_26, %get3A_27] : memref<128x256xf32, #tpu.memory_space<vmem>>, vector<128x256xf32>
    %dot_general3A_29 = arith.constant dense<0.000000e+00> : vector<2000x256xf32>
    %dot_general3A_30 = tpu.matmul %get3A_25, %get3A_28, %dot_general3A_29 {dimension_numbers = #tpu.dot_dimension_numbers<[1], [0], [0], [1], [0, 0, 1, 1], [], []>, transpose_lhs_hint = false} : vector<2000x128xf32>, vector<128x256xf32>, vector<2000x256xf32> -> vector<2000x256xf32>
    %add3A_31 = arith.addf %add3A_22, %dot_general3A_30 : vector<2000x256xf32>
    %get3A_32 = arith.constant 0 : index
    %get3A_33 = arith.constant 0 : index
    %get3A_34 = vector.load %arg9[%get3A_32, %get3A_33] : memref<1x256xf32, #tpu.memory_space<vmem>>, vector<1x256xf32>
    %add3A_35 = vector.broadcast %get3A_34 : vector<1x256xf32> to vector<2000x256xf32>
    %add3A_36 = arith.addf %add3A_31, %add3A_35 : vector<2000x256xf32>
    %get3A_37 = arith.constant 0 : index
    %get3A_38 = arith.constant 0 : index
    %get3A_39 = vector.load %arg10[%get3A_37, %get3A_38] : memref<1x256xf32, #tpu.memory_space<vmem>>, vector<1x256xf32>
    %get3A_40 = arith.constant 0 : index
    %get3A_41 = arith.constant 0 : index
    %get3A_42 = vector.load %arg11[%get3A_40, %get3A_41] : memref<1x256xf32, #tpu.memory_space<vmem>>, vector<1x256xf32>
    %iota3A = tpu.iota {dimensions = array<i32: 0>} : vector<256x8xi32>
    %jit3A = arith.constant 32 : i32
    %div3A = vector.broadcast %jit3A : i32 to vector<256x8xi32>
    %div3A_43 = arith.divsi %iota3A, %div3A : vector<256x8xi32>
    %sign3A = arith.constant 0 : i32
    %sign3A_44 = vector.broadcast %sign3A : i32 to vector<256x8xi32>
    %sign3A_45 = arith.cmpi sgt, %iota3A, %sign3A_44 : vector<256x8xi32>
    %sign3A_46 = arith.extui %sign3A_45 : vector<256x8xi1> to vector<256x8xi32>
    %sign3A_47 = arith.constant 0 : i32
    %sign3A_48 = vector.broadcast %sign3A_47 : i32 to vector<256x8xi32>
    %sign3A_49 = arith.cmpi slt, %iota3A, %sign3A_48 : vector<256x8xi32>
    %sign3A_50 = arith.extui %sign3A_49 : vector<256x8xi1> to vector<256x8xi32>
    %sign3A_51 = arith.subi %sign3A_46, %sign3A_50 : vector<256x8xi32>
    %sign3A_52 = arith.constant 0 : i32
    %sign3A_53 = arith.cmpi sgt, %jit3A, %sign3A_52 : i32
    %sign3A_54 = arith.extui %sign3A_53 : i1 to i32
    %sign3A_55 = arith.constant 0 : i32
    %sign3A_56 = arith.cmpi slt, %jit3A, %sign3A_55 : i32
    %sign3A_57 = arith.extui %sign3A_56 : i1 to i32
    %sign3A_58 = arith.subi %sign3A_54, %sign3A_57 : i32
    %ne3A = vector.broadcast %sign3A_58 : i32 to vector<256x8xi32>
    %ne3A_59 = arith.cmpi ne, %sign3A_51, %ne3A : vector<256x8xi32>
    %rem3A = vector.broadcast %jit3A : i32 to vector<256x8xi32>
    %rem3A_60 = arith.remsi %iota3A, %rem3A : vector<256x8xi32>
    %ne3A_61 = arith.constant 0 : i32
    %ne3A_62 = vector.broadcast %ne3A_61 : i32 to vector<256x8xi32>
    %ne3A_63 = arith.cmpi ne, %rem3A_60, %ne3A_62 : vector<256x8xi32>
    %and3A = arith.andi %ne3A_59, %ne3A_63 : vector<256x8xi1>
    %sub3A = arith.constant 1 : i32
    %sub3A_64 = vector.broadcast %sub3A : i32 to vector<256x8xi32>
    %sub3A_65 = arith.subi %div3A_43, %sub3A_64 : vector<256x8xi32>
    %select_n3A = arith.select %and3A, %sub3A_65, %div3A_43 : vector<256x8xi1>, vector<256x8xi32>
    %iota3A_66 = tpu.iota {dimensions = array<i32: 1>} : vector<256x8xi32>
    %eq3A = arith.cmpi eq, %select_n3A, %iota3A_66 : vector<256x8xi32>
    %convert_element_type3A = arith.extui %eq3A : vector<256x8xi1> to vector<256x8xi32>
    %convert_element_type3A_67 = arith.sitofp %convert_element_type3A : vector<256x8xi32> to vector<256x8xf32>
    %iota3A_68 = tpu.iota {dimensions = array<i32: 0>} : vector<8x256xi32>
    %iota3A_69 = tpu.iota {dimensions = array<i32: 1>} : vector<8x256xi32>
    %jit3A_70 = arith.constant 32 : i32
    %div3A_71 = vector.broadcast %jit3A_70 : i32 to vector<8x256xi32>
    %div3A_72 = arith.divsi %iota3A_69, %div3A_71 : vector<8x256xi32>
    %sign3A_73 = arith.constant 0 : i32
    %sign3A_74 = vector.broadcast %sign3A_73 : i32 to vector<8x256xi32>
    %sign3A_75 = arith.cmpi sgt, %iota3A_69, %sign3A_74 : vector<8x256xi32>
    %sign3A_76 = arith.extui %sign3A_75 : vector<8x256xi1> to vector<8x256xi32>
    %sign3A_77 = arith.constant 0 : i32
    %sign3A_78 = vector.broadcast %sign3A_77 : i32 to vector<8x256xi32>
    %sign3A_79 = arith.cmpi slt, %iota3A_69, %sign3A_78 : vector<8x256xi32>
    %sign3A_80 = arith.extui %sign3A_79 : vector<8x256xi1> to vector<8x256xi32>
    %sign3A_81 = arith.subi %sign3A_76, %sign3A_80 : vector<8x256xi32>
    %sign3A_82 = arith.constant 0 : i32
    %sign3A_83 = arith.cmpi sgt, %jit3A_70, %sign3A_82 : i32
    %sign3A_84 = arith.extui %sign3A_83 : i1 to i32
    %sign3A_85 = arith.constant 0 : i32
    %sign3A_86 = arith.cmpi slt, %jit3A_70, %sign3A_85 : i32
    %sign3A_87 = arith.extui %sign3A_86 : i1 to i32
    %sign3A_88 = arith.subi %sign3A_84, %sign3A_87 : i32
    %ne3A_89 = vector.broadcast %sign3A_88 : i32 to vector<8x256xi32>
    %ne3A_90 = arith.cmpi ne, %sign3A_81, %ne3A_89 : vector<8x256xi32>
    %rem3A_91 = vector.broadcast %jit3A_70 : i32 to vector<8x256xi32>
    %rem3A_92 = arith.remsi %iota3A_69, %rem3A_91 : vector<8x256xi32>
    %ne3A_93 = arith.constant 0 : i32
    %ne3A_94 = vector.broadcast %ne3A_93 : i32 to vector<8x256xi32>
    %ne3A_95 = arith.cmpi ne, %rem3A_92, %ne3A_94 : vector<8x256xi32>
    %and3A_96 = arith.andi %ne3A_90, %ne3A_95 : vector<8x256xi1>
    %sub3A_97 = arith.constant 1 : i32
    %sub3A_98 = vector.broadcast %sub3A_97 : i32 to vector<8x256xi32>
    %sub3A_99 = arith.subi %div3A_72, %sub3A_98 : vector<8x256xi32>
    %select_n3A_100 = arith.select %and3A_96, %sub3A_99, %div3A_72 : vector<8x256xi1>, vector<8x256xi32>
    %eq3A_101 = arith.cmpi eq, %iota3A_68, %select_n3A_100 : vector<8x256xi32>
    %convert_element_type3A_102 = arith.extui %eq3A_101 : vector<8x256xi1> to vector<8x256xi32>
    %convert_element_type3A_103 = arith.sitofp %convert_element_type3A_102 : vector<8x256xi32> to vector<8x256xf32>
    %dot_general3A_104 = arith.constant dense<0.000000e+00> : vector<2000x8xf32>
    %dot_general3A_105 = tpu.matmul %add3A_36, %convert_element_type3A_67, %dot_general3A_104 {dimension_numbers = #tpu.dot_dimension_numbers<[1], [0], [0], [1], [0, 0, 1, 1], [], []>, transpose_lhs_hint = false} : vector<2000x256xf32>, vector<256x8xf32>, vector<2000x8xf32> -> vector<2000x8xf32>
    %mul3A = arith.mulf %add3A_36, %add3A_36 : vector<2000x256xf32>
    %dot_general3A_106 = arith.constant dense<0.000000e+00> : vector<2000x8xf32>
    %dot_general3A_107 = tpu.matmul %mul3A, %convert_element_type3A_67, %dot_general3A_106 {dimension_numbers = #tpu.dot_dimension_numbers<[1], [0], [0], [1], [0, 0, 1, 1], [], []>, transpose_lhs_hint = false} : vector<2000x256xf32>, vector<256x8xf32>, vector<2000x8xf32> -> vector<2000x8xf32>
    %mul3A_108 = arith.constant 3.125000e-02 : f32
    %mul3A_109 = vector.broadcast %mul3A_108 : f32 to vector<2000x8xf32>
    %mul3A_110 = arith.mulf %dot_general3A_105, %mul3A_109 : vector<2000x8xf32>
    %mul3A_111 = arith.constant 3.125000e-02 : f32
    %mul3A_112 = vector.broadcast %mul3A_111 : f32 to vector<2000x8xf32>
    %mul3A_113 = arith.mulf %dot_general3A_107, %mul3A_112 : vector<2000x8xf32>
    %mul3A_114 = arith.mulf %mul3A_110, %mul3A_110 : vector<2000x8xf32>
    %sub3A_115 = arith.subf %mul3A_113, %mul3A_114 : vector<2000x8xf32>
    %add3A_116 = arith.constant 9.99999974E-6 : f32
    %add3A_117 = vector.broadcast %add3A_116 : f32 to vector<2000x8xf32>
    %add3A_118 = arith.addf %sub3A_115, %add3A_117 : vector<2000x8xf32>
    %rsqrt3A = math.rsqrt %add3A_118 : vector<2000x8xf32>
    %dot_general3A_119 = arith.constant dense<0.000000e+00> : vector<2000x256xf32>
    %dot_general3A_120 = tpu.matmul %rsqrt3A, %convert_element_type3A_103, %dot_general3A_119 {dimension_numbers = #tpu.dot_dimension_numbers<[1], [0], [0], [1], [0, 0, 1, 1], [], []>, transpose_lhs_hint = false} : vector<2000x8xf32>, vector<8x256xf32>, vector<2000x256xf32> -> vector<2000x256xf32>
    %mul3A_121 = arith.mulf %mul3A_110, %rsqrt3A : vector<2000x8xf32>
    %dot_general3A_122 = arith.constant dense<0.000000e+00> : vector<2000x256xf32>
    %dot_general3A_123 = tpu.matmul %mul3A_121, %convert_element_type3A_103, %dot_general3A_122 {dimension_numbers = #tpu.dot_dimension_numbers<[1], [0], [0], [1], [0, 0, 1, 1], [], []>, transpose_lhs_hint = false} : vector<2000x8xf32>, vector<8x256xf32>, vector<2000x256xf32> -> vector<2000x256xf32>
    %mul3A_124 = arith.mulf %add3A_36, %dot_general3A_120 : vector<2000x256xf32>
    %sub3A_125 = arith.subf %mul3A_124, %dot_general3A_123 : vector<2000x256xf32>
    %mul3A_126 = vector.broadcast %get3A_39 : vector<1x256xf32> to vector<2000x256xf32>
    %mul3A_127 = arith.mulf %sub3A_125, %mul3A_126 : vector<2000x256xf32>
    %add3A_128 = vector.broadcast %get3A_42 : vector<1x256xf32> to vector<2000x256xf32>
    %add3A_129 = arith.addf %mul3A_127, %add3A_128 : vector<2000x256xf32>
    %integer_pow3A = arith.mulf %add3A_129, %add3A_129 : vector<2000x256xf32>
    %integer_pow3A_130 = arith.mulf %add3A_129, %integer_pow3A : vector<2000x256xf32>
    %mul3A_131 = arith.constant 4.471500e-02 : f32
    %mul3A_132 = vector.broadcast %mul3A_131 : f32 to vector<2000x256xf32>
    %mul3A_133 = arith.mulf %mul3A_132, %integer_pow3A_130 : vector<2000x256xf32>
    %add3A_134 = arith.addf %add3A_129, %mul3A_133 : vector<2000x256xf32>
    %mul3A_135 = arith.constant 0.797884583 : f32
    %mul3A_136 = vector.broadcast %mul3A_135 : f32 to vector<2000x256xf32>
    %mul3A_137 = arith.mulf %mul3A_136, %add3A_134 : vector<2000x256xf32>
    %tanh3A = math.tanh %mul3A_137 : vector<2000x256xf32>
    %add3A_138 = arith.constant 1.000000e+00 : f32
    %add3A_139 = vector.broadcast %add3A_138 : f32 to vector<2000x256xf32>
    %add3A_140 = arith.addf %add3A_139, %tanh3A : vector<2000x256xf32>
    %mul3A_141 = arith.constant 5.000000e-01 : f32
    %mul3A_142 = vector.broadcast %mul3A_141 : f32 to vector<2000x256xf32>
    %mul3A_143 = arith.mulf %mul3A_142, %add3A_140 : vector<2000x256xf32>
    %mul3A_144 = arith.mulf %add3A_129, %mul3A_143 : vector<2000x256xf32>
    %get3A_145 = arith.constant 0 : index
    %get3A_146 = arith.constant 0 : index
    %get3A_147 = vector.load %arg12[%get3A_145, %get3A_146] : memref<256x4xf32, #tpu.memory_space<vmem>>, vector<256x4xf32>
    %dot_general3A_148 = arith.constant dense<0.000000e+00> : vector<2000x4xf32>
    %dot_general3A_149 = tpu.matmul %mul3A_144, %get3A_147, %dot_general3A_148 {dimension_numbers = #tpu.dot_dimension_numbers<[1], [0], [0], [1], [0, 0, 1, 1], [], []>, transpose_lhs_hint = false} : vector<2000x256xf32>, vector<256x4xf32>, vector<2000x4xf32> -> vector<2000x4xf32>
    %get3A_150 = arith.constant 0 : index
    %get3A_151 = arith.constant 0 : index
    %get3A_152 = vector.load %arg13[%get3A_150, %get3A_151] : memref<1x4xf32, #tpu.memory_space<vmem>>, vector<1x4xf32>
    %add3A_153 = vector.broadcast %get3A_152 : vector<1x4xf32> to vector<2000x4xf32>
    %add3A_154 = arith.addf %dot_general3A_149, %add3A_153 : vector<2000x4xf32>
    %swap3A = arith.constant 0 : index
    %swap3A_155 = arith.constant 0 : index
    %swap3A_156 = vector.load %arg14[%swap3A, %swap3A_155] : memref<2000x4xf32, #tpu.memory_space<vmem>>, vector<2000x4xf32>
    tpu.vector_store %arg14[%swap3A, %swap3A_155], %add3A_154 {strides = array<i32>} : memref<2000x4xf32, #tpu.memory_space<vmem>>, vector<2000x4xf32>,
    return
  }
  func.func @transform_0(%arg0: i32) -> (i32, i32) {
    %c0_i32 = arith.constant 0 : i32
    %c0_i32_0 = arith.constant 0 : i32
    return %arg0, %c0_i32 : i32, i32
  }
  func.func @transform_1(%arg0: i32) -> (i32, i32) {
    %c0_i32 = arith.constant 0 : i32
    %c0_i32_0 = arith.constant 0 : i32
    return %arg0, %c0_i32 : i32, i32
  }
  func.func @transform_2(%arg0: i32) -> (i32, i32) {
    %c0_i32 = arith.constant 0 : i32
    %c0_i32_0 = arith.constant 0 : i32
    return %arg0, %c0_i32 : i32, i32
  }
  func.func @transform_3(%arg0: i32) -> (i32, i32) {
    %c0_i32 = arith.constant 0 : i32
    %c0_i32_0 = arith.constant 0 : i32
    return %arg0, %c0_i32 : i32, i32
  }
  func.func @transform_4(%arg0: i32) -> (i32, i32) {
    %c0_i32 = arith.constant 0 : i32
    %c0_i32_0 = arith.constant 0 : i32
    %c0_i32_1 = arith.constant 0 : i32
    return %c0_i32, %c0_i32_0 : i32, i32
  }
  func.func @transform_5(%arg0: i32) -> (i32, i32) {
    %c0_i32 = arith.constant 0 : i32
    %c0_i32_0 = arith.constant 0 : i32
    %c0_i32_1 = arith.constant 0 : i32
    return %c0_i32, %c0_i32_0 : i32, i32
  }
  func.func @transform_6(%arg0: i32) -> (i32, i32) {
    %c0_i32 = arith.constant 0 : i32
    %c0_i32_0 = arith.constant 0 : i32
    %c0_i32_1 = arith.constant 0 : i32
    return %c0_i32, %c0_i32_0 : i32, i32
  }
  func.func @transform_7(%arg0: i32) -> (i32, i32) {
    %c0_i32 = arith.constant 0 : i32
    %c0_i32_0 = arith.constant 0 : i32
    %c0_i32_1 = arith.constant 0 : i32
    return %c0_i32, %c0_i32_0 : i32, i32
  }
  func.func @transform_8(%arg0: i32) -> (i32, i32) {
    %c0_i32 = arith.constant 0 : i32
    %c0_i32_0 = arith.constant 0 : i32
    %c0_i32_1 = arith.constant 0 : i32
    return %c0_i32, %c0_i32_0 : i32, i32
  }
  func.func @transform_9(%arg0: i32) -> (i32, i32) {
    %c0_i32 = arith.constant 0 : i32
    %c0_i32_0 = arith.constant 0 : i32
    %c0_i32_1 = arith.constant 0 : i32
    return %c0_i32, %c0_i32_0 : i32, i32
  }
  func.func @transform_10(%arg0: i32) -> (i32, i32) {
    %c0_i32 = arith.constant 0 : i32
    %c0_i32_0 = arith.constant 0 : i32
    %c0_i32_1 = arith.constant 0 : i32
    return %c0_i32, %c0_i32_0 : i32, i32
  }
  func.func @transform_11(%arg0: i32) -> (i32, i32) {
    %c0_i32 = arith.constant 0 : i32
    %c0_i32_0 = arith.constant 0 : i32
    %c0_i32_1 = arith.constant 0 : i32
    return %c0_i32, %c0_i32_0 : i32, i32
  }
  func.func @transform_12(%arg0: i32) -> (i32, i32) {
    %c0_i32 = arith.constant 0 : i32
    %c0_i32_0 = arith.constant 0 : i32
    %c0_i32_1 = arith.constant 0 : i32
    return %c0_i32, %c0_i32_0 : i32, i32
  }
  func.func @transform_13(%arg0: i32) -> (i32, i32) {
    %c0_i32 = arith.constant 0 : i32
    %c0_i32_0 = arith.constant 0 : i32
    return %arg0, %c0_i32 : i32, i32
  }
}

</mosaic_0001>

<sc_bundles>
// kernel: kernel.6.cloned.1.call-start
scs
__scs_entry_jumppad:
0x0: {  	(pc) =	sbr.rel $0x88, $3  }
0x1: {  	(tag) =	ssettag $0x0;
	lr =	simm.s32 $0x1  }
0x2: {  	[smem:$0x3F8E] =	sst lr;
	_ =	strace $0xD0000000  }
0x3: {  	_ = 	snop  }
0x4: {  	_ = 	snop  }
0x5: {  	_ = 	snop  }
0x6: {  	_ = 	snop  }
0x7: {  	_ = 	snop  }
__scs_overlays_trampoline_lowered:
0x8: {  	[smem:$0x3F9D] =	sst s0  }
0x9: {  	[smem:$0x3F9E] =	sst s1  }
0xa: {  	[smem:$0x3F9F] =	sst s2  }
0xb: {  	[smem:$0x3FA0] =	sst s3  }
0xc: {  	[smem:$0x3FA1] =	sst s4  }
0xd: {  	[smem:$0x3FA2] =	sst s5  }
0xe: {  	[smem:$0x3FA3] =	sst s6  }
0xf: {  	[smem:$0x3FA4] =	sst s7  }
0x10: {  	[smem:$0x3FA5] =	sst s8  }
0x11: {  	[smem:$0x3FA6] =	sst s9;
	s0 =	simm.s32 @!p0 $0x0  }
0x12: {  	s1 =	sld [smem:$0x3F8C];
	s0 =	simm.s32 @p0 $0x1  }
0x13: {  	[smem:$0x3FA7] =	sst s0;
	s0 =	simm.s32 @!p1 $0x0  }
0x14: {  	s2 =	sld [smem:$0x3F8B];
	s0 =	simm.s32 @p1 $0x1  }
0x15: {  	[smem:$0x3FA8] =	sst s0;
	s0 =	simm.s32 @!p2 $0x0  }
0x16: {  	s3 =	sld [smem:$0x3FDB];
	s0 =	simm.s32 @p2 $0x1  }
0x17: {  	s4 =	simm.s32 $0x1BF5;
	[smem:$0x3FAA] =	sst s0  }
0x18: {  	s0 =	sld [smem:$0x3F8D];
	_ =	swait.ge [sflag:s4], $0x0  }
0x19: {  	s7 =	sld [smem:$0x3F8E]  }
0x1a: {  	s8 =	sadd.s32 $0xFFFFE003, lr  }
0x1b: {  	s9 =	sadd.s32 $0xFFFFFEF7, lr;
	s5 =	simm.s32 $0xFFFFFFFF;
	p2 =	slt.u32 s8, $0xFFFFF086  }
0x1c: {  	p1 =	slt.u32 s9, $0xF7A;
	s5 =	simm.s32 @!p2 $0x0  }
0x1d: {  	s5 =	simm.s32 @p1 $0x1;
	p0 =	seq.s32 s7, s2  }
0x1e: {  	s7 =	smul.u32 @!p0 $0xF7A, s2;
	p2 =	seq.s32 @!p0 s5, $0x0  }
0x1f: {  	s9 =	smul.u32 $0xF7A, s1;
	s8 =	simm.s32 @!p0 $0x1BF5;
	p2 =	por !p2, p0  }
0x20: {  	[sflag:s8] =	ssyncset.s32 @!p0 $0xFFFFF086;
	s6 =	sadd.s32 @!p0 s3, s7;
	s7 =	simm.s32 @!p0 $0x108  }
0x21: {  	s3 =	sadd.s32 s3, s9;
	s6 =	sadd.s32 @!p0 $0x88, s6;
	s7 =	simm.s32 @p2 $0x1082  }
0x22: {  	[simem:s7], [sflag:s8] =	dma.local @!p0 [hbm:s6], $0xF7A  }
0x23: {  	s9 =	sor.u32 $0xD0000000, s2;
	s6 =	simm.s32 $0x108;
	_ =	swait.ge @!p0 [sflag:s8], $0x0  }
0x24: {  	s3 =	sadd.s32 $0x88, s3;
	s6 =	simm.s32 @!p1 $0x1082;
	[sflag:s4] =	ssyncset.s32 $0xFFFFF086  }
0x25: {  	[simem:s6], [sflag:s4] =	dma.local [hbm:s3], $0xF7A  }
0x26: {  	[smem:$0x3F8E] =	sst s1;
	(tag) =	ssettag s2;
	_ =	strace s9  }
0x27: {  	s1 =	sld [smem:$0x3F9E]  }
0x28: {  	s2 =	sld [smem:$0x3F9F]  }
0x29: {  	s4 =	sld [smem:$0x3FA1]  }
0x2a: {  	p0 =	seq.s32 s5, $0x0;
	s5 =	sld [smem:$0x3FA2]  }
0x2b: {  	s6 =	sld [smem:$0x3FA3]  }
0x2c: {  	s7 =	sld [smem:$0x3FA4]  }
0x2d: {  	s3 =	simm.s32 $0x108;
	s8 =	sld [smem:$0x3FA5]  }
0x2e: {  	s3 =	simm.s32 @!p0 $0x1082;
	s9 =	sld [smem:$0x3FA6]  }
0x2f: {  	lr =	sadd.s32 s0, s3;
	s0 =	sld [smem:$0x3F9D]  }
0x30: {  	s3 =	sld [smem:$0x3FA0]  }
0x31: {  	[smem:$0x3FA9] =	sst s10  }
0x32: {  	s10 =	sld [smem:$0x3FA7];
	_ =	sdelay $0x3  }
0x33: {  	p0 =	seq.s32 s10, $0x1;
	s10 =	sld [smem:$0x3FA9];
	_ =	sdelay $0x3  }
0x34: {  	[smem:$0x3FA9] =	sst s10  }
0x35: {  	s10 =	sld [smem:$0x3FA8];
	_ =	sdelay $0x3  }
0x36: {  	p1 =	seq.s32 s10, $0x1;
	s10 =	sld [smem:$0x3FA9];
	_ =	sdelay $0x3  }
0x37: {  	[smem:$0x3FA9] =	sst s10  }
0x38: {  	s10 =	sld [smem:$0x3FAA]  }
0x39: {  	_ = 	snop;
	(pc) =	sbr.ind lr, $3  }
0x3a: {  	_ = 	snop  }
0x3b: {  	_ = 	snop  }
0x3c: {  	p2 =	seq.s32 s10, $0x1;
	s10 =	sld [smem:$0x3FA9]  }
0x3d: {  	_ =	shalt  }
0x3e: {  	_ =	shalt  }
0x3f: {  	_ =	shalt  }
0x40: {  	_ =	shalt  }
0x41: {  	_ =	shalt  }
0x42: {  	_ =	shalt  }
0x43: {  	_ =	shalt  }
0x44: {  	_ =	shalt  }
0x45: {  	_ =	shalt  }
0x46: {  	_ =	shalt  }
0x47: {  	_ =	shalt  }
0x48: {  	_ =	shalt  }
0x49: {  	_ =	shalt  }
0x4a: {  	_ =	shalt  }
0x4b: {  	_ =	shalt  }
0x4c: {  	_ =	shalt  }
0x4d: {  	_ =	shalt  }
0x4e: {  	_ =	shalt  }
0x4f: {  	_ =	shalt  }
0x50: {  	_ =	shalt  }
0x51: {  	_ =	shalt  }
0x52: {  	_ =	shalt  }
0x53: {  	_ =	shalt  }
0x54: {  	_ =	shalt  }
0x55: {  	_ =	shalt  }
0x56: {  	_ =	shalt  }
0x57: {  	_ =	shalt  }
0x58: {  	_ =	shalt  }
0x59: {  	_ =	shalt  }
0x5a: {  	_ =	shalt  }
0x5b: {  	_ =	shalt  }
0x5c: {  	_ =	shalt  }
0x5d: {  	_ =	shalt  }
0x5e: {  	_ =	shalt  }
0x5f: {  	_ =	shalt  }
0x60: {  	_ =	shalt  }
0x61: {  	_ =	shalt  }
0x62: {  	_ =	shalt  }
0x63: {  	_ =	shalt  }
0x64: {  	_ =	shalt  }
0x65: {  	_ =	shalt  }
0x66: {  	_ =	shalt  }
0x67: {  	_ =	shalt  }
0x68: {  	_ =	shalt  }
0x69: {  	_ =	shalt  }
0x6a: {  	_ =	shalt  }
0x6b: {  	_ =	shalt  }
0x6c: {  	_ =	shalt  }
0x6d: {  	_ =	shalt  }
0x6e: {  	_ =	shalt  }
0x6f: {  	_ =	shalt  }
0x70: {  	_ =	shalt  }
0x71: {  	_ =	shalt  }
0x72: {  	_ =	shalt  }
0x73: {  	_ =	shalt  }
0x74: {  	_ =	shalt  }
0x75: {  	_ =	shalt  }
0x76: {  	_ =	shalt  }
0x77: {  	_ =	shalt  }
0x78: {  	_ =	shalt  }
0x79: {  	_ =	shalt  }
0x7a: {  	_ =	shalt  }
0x7b: {  	_ =	shalt  }
0x7c: {  	_ =	shalt  }
0x7d: {  	_ =	shalt  }
0x7e: {  	_ =	shalt  }
0x7f: {  	_ =	shalt  }
0x80: {  	_ =	shalt  }
0x81: {  	_ =	shalt  }
0x82: {  	_ =	shalt  }
0x83: {  	_ =	shalt  }
0x84: {  	_ =	shalt  }
0x85: {  	_ =	shalt  }
0x86: {  	_ =	shalt  }
0x87: {  	_ =	shalt  }
.Lfunc_end0:
.L_simem_size_0:
called_computation_lowered:
.L_overlay_start_0:
0x88: {  	s2 =	sld [smem:$0x3FD9]  }
0x89: {  	s3 =	sld [smem:$0x3FFE];
	_ =	sdelay $0x1  }
0x8a: {  	s1 =	srdreg.scid  }
0x8b: {  	s0 =	sand.u32 $0x1, s1  }
0x8c: {  	s16 =	sshll.u32 s0, $0xA;
	s2 =	sadd.s32 s3, s2  }
0x8d: {  	s2 =	sadd.s32 s2, s16  }
0x8e: {  	[smem:$0x3FB5] =	sst s2  }
0x8f: {  	_ = 	snop  }
0x90: {  	(tm) =	ssettm $0x1  }
0x91: {  	s17 =	sld [smem:$0x3FFB];
	_ =	sdelay $0x3  }
0x92: {  	_ =	strace s17  }
0x93: {  	s2 =	sld [smem:$0x3FFC];
	_ =	sdelay $0x3  }
0x94: {  	_ =	strace s2  }
0x95: {  	s2 =	sld [smem:$0x3FFD];
	_ =	sdelay $0x3  }
0x96: {  	_ =	strace s2  }
0x97: {  	_ =	strace $0x8FFFFFFF  }
0x98: {  	s18 =	sld [smem:$0x3FDB];
	_ =	sdelay $0x1  }
0x99: {  	s19 =	simm.s32 $_scs_section_size  }
0x9a: {  	s4 =	simm.s32 $_size__tile_overlayer_lowered;
	s5 =	simm.s32 $_tile_overlayer_lowered  }
0x9b: {  	s22 =	simm.s32 $0x1BFF;
	s21 =	sshll.u32 s5, $0x1;
	s2 =	sadd.s32 s19, s18  }
0x9c: {  	s6 =	simm.s32 $0x0;
	s20 =	sshll.u32 s4, $0x1;
	s4 =	sadd.s32 s21, s2  }
0x9d: {  	[timem:s6], [sflag:s22] =	dma.local [hbm:s4], s20  }
0x9e: {  	_ =	swait.ge [sflag:s22], s20  }
0x9f: {  	s3 =	ssub.s32 $0x0, s20;
	[sflag:s22] =	ssyncset.done $0x0  }
0xa0: {  	[sflag:s22] =	ssyncadd.s32 s3;
	_ =	sdelay $0x1  }
0xa1: {  	s23 =	simm.s32 $0x1B8B  }
0xa2: {  	_ =	swait.ge [sflag:s23], $0x1  }
0xa3: {  	[sflag:s23] =	ssyncset.done $0x0  }
0xa4: {  	s25 =	simm.s32 $0x1B8E;
	s24 =	sld [smem:$0x3FFE];
	[sflag:s23] =	ssyncadd.s32 $0xFFFFFFFF  }
0xa5: {  	s26 =	simm.s32 $execute0_lowered;
	[smem:$0x3FD2] =	sst s25  }
0xa6: {  	s4 =	sshll.u32 s26, $0x1;
	_ =	strace $0x80000046;
	[dreg:$0x1] =	wrdreg $0xFFFFFFFF  }
0xa7: {  	s28 =	simm.s32 $_size_execute0_lowered;
	s2 =	sadd.s32 s2, s4;
	[dreg:$0x0] =	wrdreg $0x0  }
0xa8: {  	s4 =	sshll.u32 s28, $0x1;
	[dreg:$0x2] =	wrdreg s2  }
0xa9: {  	[dreg:$0x3] =	wrdreg s4  }
0xaa: {  	[dreg:$0x4] =	wrdreg $0xC0  }
0xab: {  	_ =	task [dreg:s6], $0x5FFFF  }
0xac: {  	[dreg:$0x1] =	wrdreg $0xFFFFFFFF  }
0xad: {  	[dreg:$0x0] =	wrdreg $0x60  }
0xae: {  	[dreg:$0x2] =	wrdreg s24  }
0xaf: {  	[dreg:$0x3] =	wrdreg $0x90000  }
0xb0: {  	[dreg:$0x4] =	wrdreg $0x9  }
0xb1: {  	_ =	task.clear_ibuf [dreg:s6], $0x5FFFF;
	_ =	strace $0x90000046  }
0xb2: {  	s29 =	simm.s32 $0x9;
	_ =	strace $0x80000048  }
0xb3: {  	_ =	swait.ge [sflag:s29], $0x1  }
0xb4: {  	[sflag:s29] =	ssyncadd.s32 $0xFFFFFFFF  }
0xb5: {  	_ =	strace $0x90000048  }
0xb6: {  	_ =	sfence  }
0xb7: {  	s30 =	sld [smem:$0x0];
	_ =	sdelay $0x2  }
0xb8: {  	s31 =	sshll.u32 s1, $0xD;
	s1 =	sshrl.u32 s1, $0x2  }
0xb9: {  	s3 =	sand.u32 $0x4000, s31;
	s1 =	sadd.s32 s1, s30  }
0xba: {  	s0 =	sor.u32 s3, s0;
	s1 =	sshll.u32 s1, $0x11  }
0xbb: {  	s0 =	sor.u32 s1, s0  }
0xbc: {  	s0 =	sadd.s32 $0x8F2B, s0  }
0xbd: {  	[sflag:s0] =	ssyncadd.remote.s32 $0x1  }
0xbe: {  	_ =	sfence.sel $0xFFFF  }
0xbf: {  	[dreg:$0x0] =	wrdreg $0xFFFFFFFF;
	(pc) =	sbr.abs _section_cstart, $3  }
0xc0: {  	[dreg:$0x1] =	wrdreg $0xFFFFFFFF  }
0xc1: {  	_ =	task.clear_ibuf [dreg:s6], $0x2FFFF;
	_ =	strace $0x9FFFFFFF  }
0xc2: {  	(tm) =	ssettm $0x7FFFFFFF  }
0xc3: {  	_ =	shalt  }
tec
execute0_lowered:
.L_overlay_start_1:
0x0: {  	(tag) =	ssettag $0x1  }
0x1: {  	s8 =	rddreg [dreg:$0x0]  }
0x2: {  	s2 =	rddreg [dreg:$0x1]  }
0x3: {  	s0 =	rddreg [dreg:$0x2]  }
0x4: {  	s3 =	simm.s32 $0x0;
	s1 =	stileid.u32;
	s6 =	srdreg.scid  }
0x5: {  	s17 =	simm.s32 $0x80;
	s18 =	simm.s32 $0x5000;
	s19 =	simm.s32 $0x1  }
0x6: {  	s21 =	simm.s32 $0x0;
	[smem:$0x7FF] =	sst s3;
	s4 =	smul.u32 $0x500, s1  }
0x7: {  	s5 =	sadd.s32 $0xE600, s8;
	s14 =	sand.u32 $0x1, s6;
	s10 =	smul.u32 $0x280, s1  }
0x8: {  	s6 =	sadd.s32 $0x5CA00, s8;
	s7 =	sadd.s32 $0x5F200, s8;
	s29 =	sshll.u32 s1, $0x6  }
0x9: {  	_ =	strace $0x80000047;
	s9 =	ssub.s32 $0x2, s14;
	p0 =	sne.s32 s14, $0x0  }
0xa: {  	s11 =	sadd.s32 s4, s8;
	s4 =	sadd.s32 $0x35800, s8;
	s8 =	sadd.s32 $0x86400, s8  }
0xb: {  	s12 =	sshrl.u32 s9, $0x1;
	s13 =	smin.u32 s10, $0x2510;
	s30 =	smin.u32 s10, $0x2490  }
.Ltmp0:
0xc: {  	s15 =	ssub.s32 s9, s12;
	s28 =	sshll.u32 s13, $0x7;
	(pc) =	sbr.rel .LBB2_1-.Ltmp0, $4  }
0xd: {  	s9 =	sor.u32 $0x1C02, s29;
	s10 =	sadd.s32 $0x9600, s11;
	s11 =	sadd.s32 $0x4600, s11  }
0xe: {  	s31 =	sshll.u32 s30, $0x7;
	s12 =	sshll.u32 s30, $0x4;
	s16 =	sadd.s32 s28, s2  }
0xf: {  	s20 =	sadd.s32 s31, s2;
	s13 =	smax.u32 s15, $0x1;
	s15 =	simm.s32 $0x2  }
0x10: {  	s14 =	sshrl.u32 s16, $0x3;
	s16 =	simm.s32 $0x2800;
	s20 =	sshrl.u32 s20, $0x3  }
.LBB2_7:
0x11: {  	s22 =	sshra.s32 s22, $0x2;
	[sflag:s15] =	ssyncadd.s32 $0xFFFFC000  }
0x12: {  	[tilespmem:s18], [sflag:$0x1] =	stream.indirect.gather [hbm4b:s5+s17], $0x80, s22, s17, $0xb8;
	[tilespmem:$0x1CC80] =	vst v63  }
0x13: {  	_ =	swait.ge [sflag:s19], $0x4000  }
0x14: {  	[sflag:s19] =	ssyncset.done $0x0  }
0x15: {  	s22 =	sadd.s32 $0x2800, s22;
	[sflag:s19] =	ssyncadd.s32 $0xFFFFC000  }
0x16: {  	[spmem:s2] =	stream.indirect.scatter.add.f32 [tilespmem:s18], [sflag:$0x2], $0x80, s22, s17, $0xb8;
	[tilespmem:$0x1CC80] =	vst v63  }
0x17: {  	_ =	swait.ge [sflag:s15], $0x4000  }
0x18: {  	[sflag:s15] =	ssyncset.done $0x0  }
0x19: {  	s22 =	smov.u32 s8;
	[sflag:s15] =	ssyncadd.s32 $0xFFFFC000  }
.LBB2_8:
0x1a: {  	s21 =	sadd.s32 $0x1, s21  }
0x1b: {  	p1 =	sne.s32 s21, s13  }
.Ltmp1:
0x1c: {  	s22 =	sadd.s32 s22, s12;
	[bflag:$0x0] =	sbarrier.arrive $0xFFFF;
	(pc) =	sbr.rel @!p1 .LBB2_9-.Ltmp1, $4  }
0x1d: {  	[hbm:s22], [sflag:s9] =	dma.local [spmem:s20], $0x2800  }
0x1e: {  	_ =	swait.ge [sflag:s15], $0x2800  }
0x1f: {  	[sflag:s15] =	ssyncset.done $0x0  }
0x20: {  	[sflag:s15] =	ssyncadd.s32 $0xFFFFD800  }
.LBB2_1:
0x21: {  	[spmem:s14], [sflag:s9] =	dma.local [hbm:s6], $0x2800  }
0x22: {  	_ =	swait.ge [sflag:s15], $0x2800  }
0x23: {  	[sflag:s15] =	ssyncset.done $0x0  }
0x24: {  	[sflag:s15] =	ssyncadd.s32 $0xFFFFD800  }
0x25: {  	[tilespmem:s3], [sflag:$0x2] =	stream.linear.gather [hbm4b:s10+s3], $0x2780, $0x38;
	[tilespmem:$0x1CC80] =	vst v63  }
0x26: {  	_ =	swait.ge [sflag:s15], $0x2780  }
0x27: {  	[sflag:s15] =	ssyncset.done $0x0  }
0x28: {  	[sflag:s15] =	ssyncadd.s32 $0xFFFFD880  }
0x29: {  	[tilespmem:s16], [sflag:$0x2] =	stream.linear.gather [hbm4b:s11+s3], $0x2780, $0x38;
	[tilespmem:$0x1CC80] =	vst v63  }
.Ltmp2:
0x2a: {  	_ =	swait.ge [sflag:s15], $0x2780;
	(pc) =	sbr.rel @p0 .LBB2_5-.Ltmp2, $4  }
0x2b: {  	[sflag:s15] =	ssyncset.done $0x0  }
0x2c: {  	[sflag:s15] =	ssyncadd.s32 $0xFFFFD880  }
0x2d: {  	[bflag:$0x0] =	sbarrier.arrive $0xFFFF  }
0x2e: {  	s22 =	simm.s32 $0x0  }
0x2f: {  	[tilespmem:s18], [sflag:$0x1] =	stream.indirect.gather [hbm4b:s4+s17], $0x80, s22, s17, $0xb8;
	[tilespmem:$0x1CC80] =	vst v63  }
0x30: {  	_ =	swait.ge [sflag:s19], $0x4000  }
0x31: {  	[sflag:s19] =	ssyncset.done $0x0  }
0x32: {  	s31 =	simm.s32 $0x2800;
	[sflag:s19] =	ssyncadd.s32 $0xFFFFC000  }
0x33: {  	[spmem:s2] =	stream.indirect.scatter.add.f32 [tilespmem:s18], [sflag:$0x2], $0x80, s31, s17, $0xb8;
	[tilespmem:$0x1CC80] =	vst v63  }
0x34: {  	_ =	swait.ge [sflag:s15], $0x4000  }
0x35: {  	s22 =	simm.s32 $0x200;
	s23 =	simm.s32 $0x400;
	[sflag:s15] =	ssyncset.done $0x0  }
.LBB2_3:
0x36: {  	s24 =	sshra.s32 s22, $0x2  }
0x37: {  	[sflag:s15] =	ssyncadd.s32 $0xFFFFC000;
	s22 =	smov.u32 s23;
	s25 =	sadd.s32 $0x200, s23  }
0x38: {  	[tilespmem:s18], [sflag:$0x1] =	stream.indirect.gather [hbm4b:s4+s17], $0x80, s24, s17, $0xb8;
	[tilespmem:$0x1CC80] =	vst v63  }
0x39: {  	p1 =	seq.s32 s23, $0x9C00;
	_ =	swait.ge [sflag:s19], $0x4000  }
.Ltmp3:
0x3a: {  	[sflag:s19] =	ssyncset.done $0x0;
	(pc) =	sbr.rel @!p1 .LBB2_3-.Ltmp3, $4  }
0x3b: {  	s23 =	sadd.s32 $0x2800, s24;
	[sflag:s19] =	ssyncadd.s32 $0xFFFFC000  }
0x3c: {  	[spmem:s2] =	stream.indirect.scatter.add.f32 [tilespmem:s18], [sflag:$0x2], $0x80, s23, s17, $0xb8;
	[tilespmem:$0x1CC80] =	vst v63  }
0x3d: {  	_ =	swait.ge [sflag:s15], $0x4000  }
0x3e: {  	s23 =	smov.u32 s25;
	[sflag:s15] =	ssyncset.done $0x0  }
0x3f: {  	s22 =	sshra.s32 s22, $0x2;
	[sflag:s15] =	ssyncadd.s32 $0xFFFFC000  }
0x40: {  	[tilespmem:s18], [sflag:$0x1] =	stream.indirect.gather [hbm4b:s4+s17], $0x80, s22, s17, $0xb8;
	[tilespmem:$0x1CC80] =	vst v63  }
0x41: {  	_ =	swait.ge [sflag:s19], $0x4000  }
0x42: {  	[sflag:s19] =	ssyncset.done $0x0  }
.Ltmp4:
0x43: {  	s22 =	sadd.s32 $0x2800, s22;
	[sflag:s19] =	ssyncadd.s32 $0xFFFFC000;
	(pc) =	sbr.rel .LBB2_8-.Ltmp4, $4  }
0x44: {  	[spmem:s2] =	stream.indirect.scatter.add.f32 [tilespmem:s18], [sflag:$0x2], $0x80, s22, s17, $0xb8;
	[tilespmem:$0x1CC80] =	vst v63  }
0x45: {  	_ =	swait.ge [sflag:s15], $0x4000  }
0x46: {  	[sflag:s15] =	ssyncset.done $0x0  }
0x47: {  	s22 =	smov.u32 s7;
	[sflag:s15] =	ssyncadd.s32 $0xFFFFC000  }
.LBB2_5:
0x48: {  	[tilespmem:s18], [sflag:$0x1] =	stream.indirect.gather [hbm4b:s5+s17], $0x80, s22, s17, $0xb8;
	[tilespmem:$0x1CC80] =	vst v63  }
0x49: {  	_ =	swait.ge [sflag:s19], $0x4000  }
0x4a: {  	[sflag:s19] =	ssyncset.done $0x0  }
0x4b: {  	s31 =	simm.s32 $0x2800;
	[sflag:s19] =	ssyncadd.s32 $0xFFFFC000  }
0x4c: {  	[spmem:s2] =	stream.indirect.scatter.add.f32 [tilespmem:s18], [sflag:$0x2], $0x80, s31, s17, $0xb8;
	[tilespmem:$0x1CC80] =	vst v63  }
0x4d: {  	_ =	swait.ge [sflag:s15], $0x4000  }
0x4e: {  	s22 =	simm.s32 $0x200;
	s23 =	simm.s32 $0x400;
	[sflag:s15] =	ssyncset.done $0x0  }
.LBB2_6:
0x4f: {  	s24 =	sshra.s32 s22, $0x2  }
0x50: {  	[sflag:s15] =	ssyncadd.s32 $0xFFFFC000;
	s22 =	smov.u32 s23;
	s25 =	sadd.s32 $0x200, s23  }
0x51: {  	[tilespmem:s18], [sflag:$0x1] =	stream.indirect.gather [hbm4b:s5+s17], $0x80, s24, s17, $0xb8;
	[tilespmem:$0x1CC80] =	vst v63  }
0x52: {  	p1 =	sne.s32 s23, $0x9C00;
	_ =	swait.ge [sflag:s19], $0x4000  }
.Ltmp5:
0x53: {  	[sflag:s19] =	ssyncset.done $0x0;
	(pc) =	sbr.rel @p1 .LBB2_6-.Ltmp5, $4  }
0x54: {  	s23 =	sadd.s32 $0x2800, s24;
	[sflag:s19] =	ssyncadd.s32 $0xFFFFC000  }
0x55: {  	[spmem:s2] =	stream.indirect.scatter.add.f32 [tilespmem:s18], [sflag:$0x2], $0x80, s23, s17, $0xb8;
	[tilespmem:$0x1CC80] =	vst v63  }
0x56: {  	_ =	swait.ge [sflag:s15], $0x4000  }
0x57: {  	s23 =	smov.u32 s25;
	[sflag:s15] =	ssyncset.done $0x0  }
.Ltmp6:
0x58: {  	_ = 	snop;
	(pc) =	sbr.rel .LBB2_7-.Ltmp6, $1  }
0x59: {  	_ =	sdelay $0x3  }
.LBB2_9:
0x5a: {  	_ =	sfence.sel $0x180000  }
0x5b: {  	[bflag:$0x0] =	sbarrier.arrive $0xFFFF  }
0x5c: {  	p0 =	sne.s32 s1, $0x0;
	_ =	strace $0x90000047  }
0x5d: {  	s0 =	sadd.s32 @!p0 $0x100000, s0;
	[bflag:$0x2] =	sbarrier.arrive $0xFFFF  }
0x5e: {  	[sflag:s0] =	ssyncadd.tile.s32 @!p0 $0x1;
	_ =	shalt  }
.Lfunc_end2:
_tile_overlayer_lowered:
.L_overlay_start_2:
0x5f: {  	(tag) =	ssettag $0x2  }
0x60: {  	s0 =	rddreg [dreg:$0x0];
	s2 =	stileid.u32  }
0x61: {  	s1 =	rddreg [dreg:$0x1];
	p0 =	sne.s32 s2, $0x0  }
0x62: {  	s3 =	rddreg [dreg:$0x2];
	[bflag:$0x3] =	sbarrier.arrive $0xFFFF;
	s2 =	simm.s32 @!p0 $0x1C02  }
0x63: {  	[timem:s3], [sflag:s2] =	dma.local @!p0 [hbm:s0], s1  }
0x64: {  	s0 =	simm.s32 @!p0 $0x2  }
0x65: {  	_ =	swait.ge @!p0 [sflag:s0], s1  }
0x66: {  	s1 =	ssub.s32 @!p0 $0x0, s1;
	[sflag:s0] =	ssyncset.done @!p0 $0x0  }
0x67: {  	[sflag:s0] =	ssyncadd.s32 @!p0 s1  }
0x68: {  	[bflag:$0x3] =	sbarrier.arrive $0xFFFF  }
0x69: {  	_ =	shalt  }

// kernel: kernel.9.cloned.1.call-start
scs
__scs_entry_jumppad:
0x0: {  	(pc) =	sbr.rel $0x88, $3  }
0x1: {  	(tag) =	ssettag $0x0;
	lr =	simm.s32 $0x1  }
0x2: {  	[smem:$0x3F8E] =	sst lr;
	_ =	strace $0xD0000000  }
0x3: {  	_ = 	snop  }
0x4: {  	_ = 	snop  }
0x5: {  	_ = 	snop  }
0x6: {  	_ = 	snop  }
0x7: {  	_ = 	snop  }
__scs_overlays_trampoline_lowered:
0x8: {  	[smem:$0x3F9D] =	sst s0  }
0x9: {  	[smem:$0x3F9E] =	sst s1  }
0xa: {  	[smem:$0x3F9F] =	sst s2  }
0xb: {  	[smem:$0x3FA0] =	sst s3  }
0xc: {  	[smem:$0x3FA1] =	sst s4  }
0xd: {  	[smem:$0x3FA2] =	sst s5  }
0xe: {  	[smem:$0x3FA3] =	sst s6  }
0xf: {  	[smem:$0x3FA4] =	sst s7  }
0x10: {  	[smem:$0x3FA5] =	sst s8  }
0x11: {  	[smem:$0x3FA6] =	sst s9;
	s0 =	simm.s32 @!p0 $0x0  }
0x12: {  	s1 =	sld [smem:$0x3F8C];
	s0 =	simm.s32 @p0 $0x1  }
0x13: {  	[smem:$0x3FA7] =	sst s0;
	s0 =	simm.s32 @!p1 $0x0  }
0x14: {  	s2 =	sld [smem:$0x3F8B];
	s0 =	simm.s32 @p1 $0x1  }
0x15: {  	[smem:$0x3FA8] =	sst s0;
	s0 =	simm.s32 @!p2 $0x0  }
0x16: {  	s3 =	sld [smem:$0x3FDB];
	s0 =	simm.s32 @p2 $0x1  }
0x17: {  	s4 =	simm.s32 $0x1BF5;
	[smem:$0x3FAA] =	sst s0  }
0x18: {  	s0 =	sld [smem:$0x3F8D];
	_ =	swait.ge [sflag:s4], $0x0  }
0x19: {  	s7 =	sld [smem:$0x3F8E]  }
0x1a: {  	s8 =	sadd.s32 $0xFFFFE003, lr  }
0x1b: {  	s9 =	sadd.s32 $0xFFFFFEF7, lr;
	s5 =	simm.s32 $0xFFFFFFFF;
	p2 =	slt.u32 s8, $0xFFFFF086  }
0x1c: {  	p1 =	slt.u32 s9, $0xF7A;
	s5 =	simm.s32 @!p2 $0x0  }
0x1d: {  	s5 =	simm.s32 @p1 $0x1;
	p0 =	seq.s32 s7, s2  }
0x1e: {  	s7 =	smul.u32 @!p0 $0xF7A, s2;
	p2 =	seq.s32 @!p0 s5, $0x0  }
0x1f: {  	s9 =	smul.u32 $0xF7A, s1;
	s8 =	simm.s32 @!p0 $0x1BF5;
	p2 =	por !p2, p0  }
0x20: {  	[sflag:s8] =	ssyncset.s32 @!p0 $0xFFFFF086;
	s6 =	sadd.s32 @!p0 s3, s7;
	s7 =	simm.s32 @!p0 $0x108  }
0x21: {  	s3 =	sadd.s32 s3, s9;
	s6 =	sadd.s32 @!p0 $0x88, s6;
	s7 =	simm.s32 @p2 $0x1082  }
0x22: {  	[simem:s7], [sflag:s8] =	dma.local @!p0 [hbm:s6], $0xF7A  }
0x23: {  	s9 =	sor.u32 $0xD0000000, s2;
	s6 =	simm.s32 $0x108;
	_ =	swait.ge @!p0 [sflag:s8], $0x0  }
0x24: {  	s3 =	sadd.s32 $0x88, s3;
	s6 =	simm.s32 @!p1 $0x1082;
	[sflag:s4] =	ssyncset.s32 $0xFFFFF086  }
0x25: {  	[simem:s6], [sflag:s4] =	dma.local [hbm:s3], $0xF7A  }
0x26: {  	[smem:$0x3F8E] =	sst s1;
	(tag) =	ssettag s2;
	_ =	strace s9  }
0x27: {  	s1 =	sld [smem:$0x3F9E]  }
0x28: {  	s2 =	sld [smem:$0x3F9F]  }
0x29: {  	s4 =	sld [smem:$0x3FA1]  }
0x2a: {  	p0 =	seq.s32 s5, $0x0;
	s5 =	sld [smem:$0x3FA2]  }
0x2b: {  	s6 =	sld [smem:$0x3FA3]  }
0x2c: {  	s7 =	sld [smem:$0x3FA4]  }
0x2d: {  	s3 =	simm.s32 $0x108;
	s8 =	sld [smem:$0x3FA5]  }
0x2e: {  	s3 =	simm.s32 @!p0 $0x1082;
	s9 =	sld [smem:$0x3FA6]  }
0x2f: {  	lr =	sadd.s32 s0, s3;
	s0 =	sld [smem:$0x3F9D]  }
0x30: {  	s3 =	sld [smem:$0x3FA0]  }
0x31: {  	[smem:$0x3FA9] =	sst s10  }
0x32: {  	s10 =	sld [smem:$0x3FA7];
	_ =	sdelay $0x3  }
0x33: {  	p0 =	seq.s32 s10, $0x1;
	s10 =	sld [smem:$0x3FA9];
	_ =	sdelay $0x3  }
0x34: {  	[smem:$0x3FA9] =	sst s10  }
0x35: {  	s10 =	sld [smem:$0x3FA8];
	_ =	sdelay $0x3  }
0x36: {  	p1 =	seq.s32 s10, $0x1;
	s10 =	sld [smem:$0x3FA9];
	_ =	sdelay $0x3  }
0x37: {  	[smem:$0x3FA9] =	sst s10  }
0x38: {  	s10 =	sld [smem:$0x3FAA]  }
0x39: {  	_ = 	snop;
	(pc) =	sbr.ind lr, $3  }
0x3a: {  	_ = 	snop  }
0x3b: {  	_ = 	snop  }
0x3c: {  	p2 =	seq.s32 s10, $0x1;
	s10 =	sld [smem:$0x3FA9]  }
0x3d: {  	_ =	shalt  }
0x3e: {  	_ =	shalt  }
0x3f: {  	_ =	shalt  }
0x40: {  	_ =	shalt  }
0x41: {  	_ =	shalt  }
0x42: {  	_ =	shalt  }
0x43: {  	_ =	shalt  }
0x44: {  	_ =	shalt  }
0x45: {  	_ =	shalt  }
0x46: {  	_ =	shalt  }
0x47: {  	_ =	shalt  }
0x48: {  	_ =	shalt  }
0x49: {  	_ =	shalt  }
0x4a: {  	_ =	shalt  }
0x4b: {  	_ =	shalt  }
0x4c: {  	_ =	shalt  }
0x4d: {  	_ =	shalt  }
0x4e: {  	_ =	shalt  }
0x4f: {  	_ =	shalt  }
0x50: {  	_ =	shalt  }
0x51: {  	_ =	shalt  }
0x52: {  	_ =	shalt  }
0x53: {  	_ =	shalt  }
0x54: {  	_ =	shalt  }
0x55: {  	_ =	shalt  }
0x56: {  	_ =	shalt  }
0x57: {  	_ =	shalt  }
0x58: {  	_ =	shalt  }
0x59: {  	_ =	shalt  }
0x5a: {  	_ =	shalt  }
0x5b: {  	_ =	shalt  }
0x5c: {  	_ =	shalt  }
0x5d: {  	_ =	shalt  }
0x5e: {  	_ =	shalt  }
0x5f: {  	_ =	shalt  }
0x60: {  	_ =	shalt  }
0x61: {  	_ =	shalt  }
0x62: {  	_ =	shalt  }
0x63: {  	_ =	shalt  }
0x64: {  	_ =	shalt  }
0x65: {  	_ =	shalt  }
0x66: {  	_ =	shalt  }
0x67: {  	_ =	shalt  }
0x68: {  	_ =	shalt  }
0x69: {  	_ =	shalt  }
0x6a: {  	_ =	shalt  }
0x6b: {  	_ =	shalt  }
0x6c: {  	_ =	shalt  }
0x6d: {  	_ =	shalt  }
0x6e: {  	_ =	shalt  }
0x6f: {  	_ =	shalt  }
0x70: {  	_ =	shalt  }
0x71: {  	_ =	shalt  }
0x72: {  	_ =	shalt  }
0x73: {  	_ =	shalt  }
0x74: {  	_ =	shalt  }
0x75: {  	_ =	shalt  }
0x76: {  	_ =	shalt  }
0x77: {  	_ =	shalt  }
0x78: {  	_ =	shalt  }
0x79: {  	_ =	shalt  }
0x7a: {  	_ =	shalt  }
0x7b: {  	_ =	shalt  }
0x7c: {  	_ =	shalt  }
0x7d: {  	_ =	shalt  }
0x7e: {  	_ =	shalt  }
0x7f: {  	_ =	shalt  }
0x80: {  	_ =	shalt  }
0x81: {  	_ =	shalt  }
0x82: {  	_ =	shalt  }
0x83: {  	_ =	shalt  }
0x84: {  	_ =	shalt  }
0x85: {  	_ =	shalt  }
0x86: {  	_ =	shalt  }
0x87: {  	_ =	shalt  }
.Lfunc_end0:
.L_simem_size_0:
called_computation.1_lowered:
.L_overlay_start_0:
0x88: {  	s2 =	sld [smem:$0x3FD9]  }
0x89: {  	s3 =	sld [smem:$0x3FFE];
	_ =	sdelay $0x1  }
0x8a: {  	s1 =	srdreg.scid  }
0x8b: {  	s0 =	sand.u32 $0x1, s1  }
0x8c: {  	s16 =	sshll.u32 s0, $0xA;
	s2 =	sadd.s32 s3, s2  }
0x8d: {  	s2 =	sadd.s32 s2, s16  }
0x8e: {  	[smem:$0x3FB5] =	sst s2  }
0x8f: {  	_ = 	snop  }
0x90: {  	(tm) =	ssettm $0x1  }
0x91: {  	s17 =	sld [smem:$0x3FFB];
	_ =	sdelay $0x3  }
0x92: {  	_ =	strace s17  }
0x93: {  	s2 =	sld [smem:$0x3FFC];
	_ =	sdelay $0x3  }
0x94: {  	_ =	strace s2  }
0x95: {  	s2 =	sld [smem:$0x3FFD];
	_ =	sdelay $0x3  }
0x96: {  	_ =	strace s2  }
0x97: {  	_ =	strace $0x8FFFFFFF  }
0x98: {  	s18 =	sld [smem:$0x3FDB];
	_ =	sdelay $0x1  }
0x99: {  	s19 =	simm.s32 $_scs_section_size  }
0x9a: {  	s4 =	simm.s32 $_size__tile_overlayer_lowered;
	s5 =	simm.s32 $_tile_overlayer_lowered  }
0x9b: {  	s22 =	simm.s32 $0x1BFF;
	s21 =	sshll.u32 s5, $0x1;
	s2 =	sadd.s32 s19, s18  }
0x9c: {  	s6 =	simm.s32 $0x0;
	s20 =	sshll.u32 s4, $0x1;
	s4 =	sadd.s32 s21, s2  }
0x9d: {  	[timem:s6], [sflag:s22] =	dma.local [hbm:s4], s20  }
0x9e: {  	_ =	swait.ge [sflag:s22], s20  }
0x9f: {  	s3 =	ssub.s32 $0x0, s20;
	[sflag:s22] =	ssyncset.done $0x0  }
0xa0: {  	[sflag:s22] =	ssyncadd.s32 s3;
	_ =	sdelay $0x1  }
0xa1: {  	s23 =	simm.s32 $0x1B8B  }
0xa2: {  	_ =	swait.ge [sflag:s23], $0x1  }
0xa3: {  	[sflag:s23] =	ssyncset.done $0x0  }
0xa4: {  	s25 =	simm.s32 $0x1B8E;
	s24 =	sld [smem:$0x3FFE];
	[sflag:s23] =	ssyncadd.s32 $0xFFFFFFFF  }
0xa5: {  	s26 =	simm.s32 $execute0_lowered;
	[smem:$0x3FD2] =	sst s25  }
0xa6: {  	s4 =	sshll.u32 s26, $0x1;
	_ =	strace $0x80000049;
	[dreg:$0x1] =	wrdreg $0xFFFFFFFF  }
0xa7: {  	s28 =	simm.s32 $_size_execute0_lowered;
	s2 =	sadd.s32 s2, s4;
	[dreg:$0x0] =	wrdreg $0x0  }
0xa8: {  	s4 =	sshll.u32 s28, $0x1;
	[dreg:$0x2] =	wrdreg s2  }
0xa9: {  	[dreg:$0x3] =	wrdreg s4  }
0xaa: {  	[dreg:$0x4] =	wrdreg $0xC0  }
0xab: {  	_ =	task [dreg:s6], $0x5FFFF  }
0xac: {  	[dreg:$0x1] =	wrdreg $0xFFFFFFFF  }
0xad: {  	[dreg:$0x0] =	wrdreg $0x60  }
0xae: {  	[dreg:$0x2] =	wrdreg s24  }
0xaf: {  	[dreg:$0x3] =	wrdreg $0x90000  }
0xb0: {  	[dreg:$0x4] =	wrdreg $0x9  }
0xb1: {  	_ =	task.clear_ibuf [dreg:s6], $0x5FFFF;
	_ =	strace $0x90000049  }
0xb2: {  	s29 =	simm.s32 $0x9;
	_ =	strace $0x8000004B  }
0xb3: {  	_ =	swait.ge [sflag:s29], $0x1  }
0xb4: {  	[sflag:s29] =	ssyncadd.s32 $0xFFFFFFFF  }
0xb5: {  	_ =	strace $0x9000004B  }
0xb6: {  	_ =	sfence  }
0xb7: {  	s30 =	sld [smem:$0x0];
	_ =	sdelay $0x2  }
0xb8: {  	s31 =	sshll.u32 s1, $0xD;
	s1 =	sshrl.u32 s1, $0x2  }
0xb9: {  	s3 =	sand.u32 $0x4000, s31;
	s1 =	sadd.s32 s1, s30  }
0xba: {  	s0 =	sor.u32 s3, s0;
	s1 =	sshll.u32 s1, $0x11  }
0xbb: {  	s0 =	sor.u32 s1, s0  }
0xbc: {  	s0 =	sadd.s32 $0x8F2B, s0  }
0xbd: {  	[sflag:s0] =	ssyncadd.remote.s32 $0x1  }
0xbe: {  	_ =	sfence.sel $0xFFFF  }
0xbf: {  	[dreg:$0x0] =	wrdreg $0xFFFFFFFF;
	(pc) =	sbr.abs _section_cstart, $3  }
0xc0: {  	[dreg:$0x1] =	wrdreg $0xFFFFFFFF  }
0xc1: {  	_ =	task.clear_ibuf [dreg:s6], $0x2FFFF;
	_ =	strace $0x9FFFFFFF  }
0xc2: {  	(tm) =	ssettm $0x7FFFFFFF  }
0xc3: {  	_ =	shalt  }
tec
execute0_lowered:
.L_overlay_start_1:
0x0: {  	(tag) =	ssettag $0x1  }
0x1: {  	s8 =	rddreg [dreg:$0x0]  }
0x2: {  	s2 =	rddreg [dreg:$0x1]  }
0x3: {  	s0 =	rddreg [dreg:$0x2]  }
0x4: {  	s3 =	simm.s32 $0x0;
	s1 =	stileid.u32;
	s6 =	srdreg.scid  }
0x5: {  	s17 =	simm.s32 $0x80;
	s18 =	simm.s32 $0x5000;
	s19 =	simm.s32 $0x1  }
0x6: {  	s21 =	simm.s32 $0x0;
	[smem:$0x7FF] =	sst s3;
	s4 =	smul.u32 $0x500, s1  }
0x7: {  	s5 =	sadd.s32 $0x35800, s8;
	s14 =	sand.u32 $0x1, s6;
	s10 =	smul.u32 $0x280, s1  }
0x8: {  	s6 =	sadd.s32 $0x5CA00, s8;
	s7 =	sadd.s32 $0x5F200, s8;
	s29 =	sshll.u32 s1, $0x6  }
0x9: {  	_ =	strace $0x8000004A;
	s9 =	ssub.s32 $0x2, s14;
	p0 =	sne.s32 s14, $0x0  }
0xa: {  	s11 =	sadd.s32 s4, s8;
	s4 =	sadd.s32 $0xE600, s8;
	s8 =	sadd.s32 $0x86400, s8  }
0xb: {  	s12 =	sshrl.u32 s9, $0x1;
	s13 =	smin.u32 s10, $0x2510;
	s30 =	smin.u32 s10, $0x2490  }
.Ltmp0:
0xc: {  	s15 =	ssub.s32 s9, s12;
	s28 =	sshll.u32 s13, $0x7;
	(pc) =	sbr.rel .LBB2_1-.Ltmp0, $4  }
0xd: {  	s9 =	sor.u32 $0x1C02, s29;
	s10 =	sadd.s32 $0x9600, s11;
	s11 =	sadd.s32 $0x4600, s11  }
0xe: {  	s31 =	sshll.u32 s30, $0x7;
	s12 =	sshll.u32 s30, $0x4;
	s16 =	sadd.s32 s28, s2  }
0xf: {  	s20 =	sadd.s32 s31, s2;
	s13 =	smax.u32 s15, $0x1;
	s15 =	simm.s32 $0x2  }
0x10: {  	s14 =	sshrl.u32 s16, $0x3;
	s16 =	simm.s32 $0x2800;
	s20 =	sshrl.u32 s20, $0x3  }
.LBB2_7:
0x11: {  	s22 =	sshra.s32 s22, $0x2;
	[sflag:s15] =	ssyncadd.s32 $0xFFFFC000  }
0x12: {  	[tilespmem:s18], [sflag:$0x1] =	stream.indirect.gather [hbm4b:s5+s17], $0x80, s22, s17, $0xb8;
	[tilespmem:$0x1CC80] =	vst v63  }
0x13: {  	_ =	swait.ge [sflag:s19], $0x4000  }
0x14: {  	[sflag:s19] =	ssyncset.done $0x0  }
0x15: {  	s22 =	sadd.s32 $0x2800, s22;
	[sflag:s19] =	ssyncadd.s32 $0xFFFFC000  }
0x16: {  	[spmem:s2] =	stream.indirect.scatter.add.f32 [tilespmem:s18], [sflag:$0x2], $0x80, s22, s17, $0xb8;
	[tilespmem:$0x1CC80] =	vst v63  }
0x17: {  	_ =	swait.ge [sflag:s15], $0x4000  }
0x18: {  	[sflag:s15] =	ssyncset.done $0x0  }
0x19: {  	s22 =	smov.u32 s8;
	[sflag:s15] =	ssyncadd.s32 $0xFFFFC000  }
.LBB2_8:
0x1a: {  	s21 =	sadd.s32 $0x1, s21  }
0x1b: {  	p1 =	sne.s32 s21, s13  }
.Ltmp1:
0x1c: {  	s22 =	sadd.s32 s22, s12;
	[bflag:$0x0] =	sbarrier.arrive $0xFFFF;
	(pc) =	sbr.rel @!p1 .LBB2_9-.Ltmp1, $4  }
0x1d: {  	[hbm:s22], [sflag:s9] =	dma.local [spmem:s20], $0x2800  }
0x1e: {  	_ =	swait.ge [sflag:s15], $0x2800  }
0x1f: {  	[sflag:s15] =	ssyncset.done $0x0  }
0x20: {  	[sflag:s15] =	ssyncadd.s32 $0xFFFFD800  }
.LBB2_1:
0x21: {  	[spmem:s14], [sflag:s9] =	dma.local [hbm:s6], $0x2800  }
0x22: {  	_ =	swait.ge [sflag:s15], $0x2800  }
0x23: {  	[sflag:s15] =	ssyncset.done $0x0  }
0x24: {  	[sflag:s15] =	ssyncadd.s32 $0xFFFFD800  }
0x25: {  	[tilespmem:s3], [sflag:$0x2] =	stream.linear.gather [hbm4b:s10+s3], $0x2780, $0x38;
	[tilespmem:$0x1CC80] =	vst v63  }
0x26: {  	_ =	swait.ge [sflag:s15], $0x2780  }
0x27: {  	[sflag:s15] =	ssyncset.done $0x0  }
0x28: {  	[sflag:s15] =	ssyncadd.s32 $0xFFFFD880  }
0x29: {  	[tilespmem:s16], [sflag:$0x2] =	stream.linear.gather [hbm4b:s11+s3], $0x2780, $0x38;
	[tilespmem:$0x1CC80] =	vst v63  }
.Ltmp2:
0x2a: {  	_ =	swait.ge [sflag:s15], $0x2780;
	(pc) =	sbr.rel @p0 .LBB2_5-.Ltmp2, $4  }
0x2b: {  	[sflag:s15] =	ssyncset.done $0x0  }
0x2c: {  	[sflag:s15] =	ssyncadd.s32 $0xFFFFD880  }
0x2d: {  	[bflag:$0x0] =	sbarrier.arrive $0xFFFF  }
0x2e: {  	s22 =	simm.s32 $0x0  }
0x2f: {  	[tilespmem:s18], [sflag:$0x1] =	stream.indirect.gather [hbm4b:s4+s17], $0x80, s22, s17, $0xb8;
	[tilespmem:$0x1CC80] =	vst v63  }
0x30: {  	_ =	swait.ge [sflag:s19], $0x4000  }
0x31: {  	[sflag:s19] =	ssyncset.done $0x0  }
0x32: {  	s31 =	simm.s32 $0x2800;
	[sflag:s19] =	ssyncadd.s32 $0xFFFFC000  }
0x33: {  	[spmem:s2] =	stream.indirect.scatter.add.f32 [tilespmem:s18], [sflag:$0x2], $0x80, s31, s17, $0xb8;
	[tilespmem:$0x1CC80] =	vst v63  }
0x34: {  	_ =	swait.ge [sflag:s15], $0x4000  }
0x35: {  	s22 =	simm.s32 $0x200;
	s23 =	simm.s32 $0x400;
	[sflag:s15] =	ssyncset.done $0x0  }
.LBB2_3:
0x36: {  	s24 =	sshra.s32 s22, $0x2  }
0x37: {  	[sflag:s15] =	ssyncadd.s32 $0xFFFFC000;
	s22 =	smov.u32 s23;
	s25 =	sadd.s32 $0x200, s23  }
0x38: {  	[tilespmem:s18], [sflag:$0x1] =	stream.indirect.gather [hbm4b:s4+s17], $0x80, s24, s17, $0xb8;
	[tilespmem:$0x1CC80] =	vst v63  }
0x39: {  	p1 =	seq.s32 s23, $0x9C00;
	_ =	swait.ge [sflag:s19], $0x4000  }
.Ltmp3:
0x3a: {  	[sflag:s19] =	ssyncset.done $0x0;
	(pc) =	sbr.rel @!p1 .LBB2_3-.Ltmp3, $4  }
0x3b: {  	s23 =	sadd.s32 $0x2800, s24;
	[sflag:s19] =	ssyncadd.s32 $0xFFFFC000  }
0x3c: {  	[spmem:s2] =	stream.indirect.scatter.add.f32 [tilespmem:s18], [sflag:$0x2], $0x80, s23, s17, $0xb8;
	[tilespmem:$0x1CC80] =	vst v63  }
0x3d: {  	_ =	swait.ge [sflag:s15], $0x4000  }
0x3e: {  	s23 =	smov.u32 s25;
	[sflag:s15] =	ssyncset.done $0x0  }
0x3f: {  	s22 =	sshra.s32 s22, $0x2;
	[sflag:s15] =	ssyncadd.s32 $0xFFFFC000  }
0x40: {  	[tilespmem:s18], [sflag:$0x1] =	stream.indirect.gather [hbm4b:s4+s17], $0x80, s22, s17, $0xb8;
	[tilespmem:$0x1CC80] =	vst v63  }
0x41: {  	_ =	swait.ge [sflag:s19], $0x4000  }
0x42: {  	[sflag:s19] =	ssyncset.done $0x0  }
.Ltmp4:
0x43: {  	s22 =	sadd.s32 $0x2800, s22;
	[sflag:s19] =	ssyncadd.s32 $0xFFFFC000;
	(pc) =	sbr.rel .LBB2_8-.Ltmp4, $4  }
0x44: {  	[spmem:s2] =	stream.indirect.scatter.add.f32 [tilespmem:s18], [sflag:$0x2], $0x80, s22, s17, $0xb8;
	[tilespmem:$0x1CC80] =	vst v63  }
0x45: {  	_ =	swait.ge [sflag:s15], $0x4000  }
0x46: {  	[sflag:s15] =	ssyncset.done $0x0  }
0x47: {  	s22 =	smov.u32 s7;
	[sflag:s15] =	ssyncadd.s32 $0xFFFFC000  }
.LBB2_5:
0x48: {  	[tilespmem:s18], [sflag:$0x1] =	stream.indirect.gather [hbm4b:s5+s17], $0x80, s22, s17, $0xb8;
	[tilespmem:$0x1CC80] =	vst v63  }
0x49: {  	_ =	swait.ge [sflag:s19], $0x4000  }
0x4a: {  	[sflag:s19] =	ssyncset.done $0x0  }
0x4b: {  	s31 =	simm.s32 $0x2800;
	[sflag:s19] =	ssyncadd.s32 $0xFFFFC000  }
0x4c: {  	[spmem:s2] =	stream.indirect.scatter.add.f32 [tilespmem:s18], [sflag:$0x2], $0x80, s31, s17, $0xb8;
	[tilespmem:$0x1CC80] =	vst v63  }
0x4d: {  	_ =	swait.ge [sflag:s15], $0x4000  }
0x4e: {  	s22 =	simm.s32 $0x200;
	s23 =	simm.s32 $0x400;
	[sflag:s15] =	ssyncset.done $0x0  }
.LBB2_6:
0x4f: {  	s24 =	sshra.s32 s22, $0x2  }
0x50: {  	[sflag:s15] =	ssyncadd.s32 $0xFFFFC000;
	s22 =	smov.u32 s23;
	s25 =	sadd.s32 $0x200, s23  }
0x51: {  	[tilespmem:s18], [sflag:$0x1] =	stream.indirect.gather [hbm4b:s5+s17], $0x80, s24, s17, $0xb8;
	[tilespmem:$0x1CC80] =	vst v63  }
0x52: {  	p1 =	sne.s32 s23, $0x9C00;
	_ =	swait.ge [sflag:s19], $0x4000  }
.Ltmp5:
0x53: {  	[sflag:s19] =	ssyncset.done $0x0;
	(pc) =	sbr.rel @p1 .LBB2_6-.Ltmp5, $4  }
0x54: {  	s23 =	sadd.s32 $0x2800, s24;
	[sflag:s19] =	ssyncadd.s32 $0xFFFFC000  }
0x55: {  	[spmem:s2] =	stream.indirect.scatter.add.f32 [tilespmem:s18], [sflag:$0x2], $0x80, s23, s17, $0xb8;
	[tilespmem:$0x1CC80] =	vst v63  }
0x56: {  	_ =	swait.ge [sflag:s15], $0x4000  }
0x57: {  	s23 =	smov.u32 s25;
	[sflag:s15] =	ssyncset.done $0x0  }
.Ltmp6:
0x58: {  	_ = 	snop;
	(pc) =	sbr.rel .LBB2_7-.Ltmp6, $1  }
0x59: {  	_ =	sdelay $0x3  }
.LBB2_9:
0x5a: {  	_ =	sfence.sel $0x180000  }
0x5b: {  	[bflag:$0x0] =	sbarrier.arrive $0xFFFF  }
0x5c: {  	p0 =	sne.s32 s1, $0x0;
	_ =	strace $0x9000004A  }
0x5d: {  	s0 =	sadd.s32 @!p0 $0x100000, s0;
	[bflag:$0x2] =	sbarrier.arrive $0xFFFF  }
0x5e: {  	[sflag:s0] =	ssyncadd.tile.s32 @!p0 $0x1;
	_ =	shalt  }
.Lfunc_end2:
_tile_overlayer_lowered:
.L_overlay_start_2:
0x5f: {  	(tag) =	ssettag $0x2  }
0x60: {  	s0 =	rddreg [dreg:$0x0];
	s2 =	stileid.u32  }
0x61: {  	s1 =	rddreg [dreg:$0x1];
	p0 =	sne.s32 s2, $0x0  }
0x62: {  	s3 =	rddreg [dreg:$0x2];
	[bflag:$0x3] =	sbarrier.arrive $0xFFFF;
	s2 =	simm.s32 @!p0 $0x1C02  }
0x63: {  	[timem:s3], [sflag:s2] =	dma.local @!p0 [hbm:s0], s1  }
0x64: {  	s0 =	simm.s32 @!p0 $0x2  }
0x65: {  	_ =	swait.ge @!p0 [sflag:s0], s1  }
0x66: {  	s1 =	ssub.s32 @!p0 $0x0, s1;
	[sflag:s0] =	ssyncset.done @!p0 $0x0  }
0x67: {  	[sflag:s0] =	ssyncadd.s32 @!p0 s1  }
0x68: {  	[bflag:$0x3] =	sbarrier.arrive $0xFFFF  }
0x69: {  	_ =	shalt  }

</sc_bundles>
